<compile_context>
chip_gen: v7x
topology: tpu7x:2x2x1
jax: 0.10.2.dev20260603
libtpu: 0.0.44.dev20260713+nightly
codegen_flags: <defaults>
</compile_context>

<pallas_src>
import jax
import jax.numpy as jnp
from jax import lax
from jax.experimental import pallas as pl
from jax.experimental.pallas import tpu as pltpu
from jax.experimental.pallas import tpu_sc as plsc

N_NODES = 100000
HIDDEN = 128
N_EDGES = 400000
E_PAD = 409600
TILE_E = E_PAD // 16
R = 11328
N_PASS = 5
N_OUT_PAD = R * 2 * N_PASS
SP_ROWS = 11360
WB_CH = 24
WB_N = R // WB_CH
ZCH = 32
SEG = 6400
BATCH = 64
DST_SENTINEL = 1 << 30



def _matmul_relu_kern(x_ref, w_ref, b_ref, o_ref):
    acc = jnp.dot(x_ref[...], w_ref[...], preferred_element_type=jnp.float32)
    o_ref[...] = jnp.maximum(acc + b_ref[...], 0.0)


def _matmul_relu(x, w, b, bm):
    m, k = x.shape
    n = w.shape[1]
    return pl.pallas_call(
        _matmul_relu_kern,
        grid=(m // bm,),
        in_specs=[
            pl.BlockSpec((bm, k), lambda i: (i, 0)),
            pl.BlockSpec((k, n), lambda i: (0, 0)),
            pl.BlockSpec((1, n), lambda i: (0, 0)),
        ],
        out_specs=pl.BlockSpec((bm, n), lambda i: (i, 0)),
        out_shape=jax.ShapeDtypeStruct((m, n), jnp.float32),
    )(x, w, b.reshape(1, n))


def _msg_kern(g_ref, bf_ref, wh_ref, wb_ref, o_ref):
    acc = jnp.dot(g_ref[...], wh_ref[...], preferred_element_type=jnp.float32)
    acc += jnp.dot(bf_ref[...], wb_ref[...], preferred_element_type=jnp.float32)
    o_ref[...] = jnp.maximum(acc, 0.0)


def _msg_matmul(gathered, bond, wh, wb, bm):
    m = bond.shape[0]
    kb = bond.shape[1]
    n = wh.shape[1]
    return pl.pallas_call(
        _msg_kern,
        grid=(m // bm,),
        in_specs=[
            pl.BlockSpec((bm, HIDDEN), lambda i: (i, 0)),
            pl.BlockSpec((bm, kb), lambda i: (i, 0)),
            pl.BlockSpec((HIDDEN, n), lambda i: (0, 0)),
            pl.BlockSpec((kb, n), lambda i: (0, 0)),
        ],
        out_specs=pl.BlockSpec((bm, n), lambda i: (i, 0)),
        out_shape=jax.ShapeDtypeStruct((m, n), jnp.float32),
    )(gathered, bond, wh, wb)


def _self_kern(agg_ref, h_ref, w_ref, o_ref):
    acc = jnp.dot(h_ref[...], w_ref[...], preferred_element_type=jnp.float32)
    o_ref[...] = jnp.maximum(acc + agg_ref[...], 0.0)


def _self_update(agg, h, w, bm):
    m = h.shape[0]
    return pl.pallas_call(
        _self_kern,
        grid=(m // bm,),
        in_specs=[
            pl.BlockSpec((bm, HIDDEN), lambda i: (i, 0)),
            pl.BlockSpec((bm, HIDDEN), lambda i: (i, 0)),
            pl.BlockSpec((HIDDEN, HIDDEN), lambda i: (0, 0)),
        ],
        out_specs=pl.BlockSpec((bm, HIDDEN), lambda i: (i, 0)),
        out_shape=jax.ShapeDtypeStruct((m, HIDDEN), jnp.float32),
    )(agg, h, w)


def _head_kern(gs_ref, cnt_ref, wro_ref, bro_ref, wout_ref, bout_ref, o_ref):
    g = gs_ref[...] / jnp.maximum(cnt_ref[...], 1.0)
    emb = jnp.maximum(
        jnp.dot(g, wro_ref[...], preferred_element_type=jnp.float32) + bro_ref[...],
        0.0,
    )
    o_ref[...] = jnp.dot(emb, wout_ref[...], preferred_element_type=jnp.float32) + bout_ref[0, 0]


def _head(g_sum, counts, w_ro, b_ro, w_out, b_out):
    ngr = g_sum.shape[0]
    emb_d = w_ro.shape[1]
    out = pl.pallas_call(
        _head_kern,
        in_specs=[
            pl.BlockSpec((ngr, HIDDEN), lambda: (0, 0)),
            pl.BlockSpec((ngr, 1), lambda: (0, 0)),
            pl.BlockSpec((HIDDEN, emb_d), lambda: (0, 0)),
            pl.BlockSpec((1, emb_d), lambda: (0, 0)),
            pl.BlockSpec((emb_d, 1), lambda: (0, 0)),
            pl.BlockSpec((1, 1), lambda: (0, 0)),
        ],
        out_specs=pl.BlockSpec((ngr, 1), lambda: (0, 0)),
        out_shape=jax.ShapeDtypeStruct((ngr, 1), jnp.float32),
    )(g_sum, counts, w_ro, b_ro.reshape(1, emb_d), w_out, b_out.reshape(1, 1))
    return out[:, 0]



GC = 128
G_SLOTS = 5
EW0 = 22400
EW1 = (E_PAD - 16 * EW0) // 16
NCH0 = EW0 // GC
NCH1 = EW1 // GC


def _gather_body(idx_hbm, h_hbm, out_hbm, idxb,
                 b0, b1, b2, b3, b4, sg0, sg1, sg2, sg3, sg4,
                 so0, so1, so2, so3, so4):
    c = lax.axis_index("c")
    s = lax.axis_index("s")
    is0 = c == 0
    e0 = jnp.where(is0, s * EW0, 16 * EW0 + s * EW1)
    n_ch = jnp.where(is0, NCH0, NCH1)
    bufs = [b0, b1, b2, b3, b4]
    sgs = [sg0, sg1, sg2, sg3, sg4]
    sos = [so0, so1, so2, so3, so4]

    @pl.when(is0)
    def _():
        pltpu.sync_copy(idx_hbm.at[pl.ds(e0, EW0)], idxb)

    @pl.when(jnp.logical_not(is0))
    def _():
        pltpu.sync_copy(idx_hbm.at[pl.ds(e0, EW1)], idxb.at[pl.ds(0, EW1)])

    for sl in range(G_SLOTS):
        pltpu.async_copy(h_hbm.at[idxb.at[pl.ds(sl * GC, GC)]], bufs[sl], sgs[sl])

    def chunk_grp(j, _):
        for sl in range(G_SLOTS):
            ch = G_SLOTS * j + sl
            pltpu.make_async_copy(h_hbm.at[idxb.at[pl.ds(ch * GC, GC)]],
                                  bufs[sl], sgs[sl]).wait()
            pltpu.async_copy(bufs[sl], out_hbm.at[pl.ds(e0 + ch * GC, GC)],
                             sos[sl])
        for sl in range(G_SLOTS):
            ch = G_SLOTS * j + sl

            @pl.when(ch + G_SLOTS < n_ch)
            def _():
                pltpu.make_async_copy(bufs[sl],
                                      out_hbm.at[pl.ds(e0 + ch * GC, GC)],
                                      sos[sl]).wait()
                pltpu.async_copy(h_hbm.at[idxb.at[pl.ds((ch + G_SLOTS) * GC, GC)]],
                                 bufs[sl], sgs[sl])
        return 0
    lax.fori_loop(0, n_ch // G_SLOTS, chunk_grp, 0)

    for sl in range(G_SLOTS):
        ch = n_ch - G_SLOTS + sl
        pltpu.make_async_copy(bufs[sl], out_hbm.at[pl.ds(e0 + ch * GC, GC)],
                              sos[sl]).wait()


def _sc_gather(src_pad, h):
    mesh = plsc.VectorSubcoreMesh(core_axis_name="c", subcore_axis_name="s")
    return pl.kernel(
        _gather_body,
        out_type=jax.ShapeDtypeStruct((E_PAD, HIDDEN), jnp.float32),
        mesh=mesh,
        scratch_types=(
            [pltpu.VMEM((EW0,), jnp.int32)]
            + [pltpu.VMEM((GC, HIDDEN), jnp.float32)] * G_SLOTS
            + [pltpu.SemaphoreType.DMA] * (2 * G_SLOTS)
        ),
        compiler_params=pltpu.CompilerParams(needs_layout_passes=False),
    )(src_pad, h)



def _scatter_body(dst_hbm, msg_hbm, zin_hbm, out_hbm,
                  dstc, eidb, sidxb, rows, rows2, zbuf, shared,
                  sga, sgb, saa, sab):
    c = lax.axis_index("c")
    s = lax.axis_index("s")
    iota = jnp.arange(16, dtype=jnp.int32)
    e0 = s * TILE_E

    pltpu.sync_copy(zin_hbm, zbuf)

    def one_pass(p, _):
        base = (2 * p + c) * R
        hi = base + R

        def zchunk(jj, _):
            j = s + 16 * jj
            @pl.when(j < SP_ROWS // ZCH)
            def _():
                pltpu.sync_copy(zbuf, shared.at[pl.ds(j * ZCH, ZCH)])
            return 0
        lax.fori_loop(0, SP_ROWS // ZCH // 16 + 1, zchunk, 0)
        plsc.subcore_barrier()

        def seg_loop(g, _):
            sbase = e0 + g * SEG
            pltpu.sync_copy(dst_hbm.at[pl.ds(sbase, SEG)], dstc)

            def scan_i(i, cnt):
                d = dstc[pl.ds(i * 16, 16)]
                m = (d >= base) & (d < hi)
                pos = cnt + plsc.cumsum(jnp.where(m, 1, 0)) - 1
                eidv = sbase + i * 16 + iota
                plsc.store_scatter(eidb, [pos], eidv, mask=m)
                plsc.store_scatter(sidxb, [pos], d - base, mask=m)
                return cnt + plsc.all_reduce_population_count(m)[0]
            cnt = lax.fori_loop(0, SEG // 16, scan_i, 0)

            for k in range(BATCH // 16):
                idxv = cnt + k * 16 + iota
                plsc.store_scatter(sidxb, [idxv], R + iota + 16 * (k % 2))
                plsc.store_scatter(eidb, [idxv], (k * 16 + iota) * 64)

            nb = (cnt + BATCH - 1) // BATCH
            rbufs = [rows, rows2]
            sgs = [sga, sgb]
            sas = [saa, sab]

            def g_issue(b, sl):
                pltpu.async_copy(msg_hbm.at[eidb.at[pl.ds(b * BATCH, BATCH)]],
                                 rbufs[sl], sgs[sl])

            def g_wait(b, sl):
                pltpu.make_async_copy(msg_hbm.at[eidb.at[pl.ds(b * BATCH, BATCH)]],
                                      rbufs[sl], sgs[sl]).wait()

            def adds_issue(b, sl):
                for k in range(BATCH // 16):
                    sidxv = plsc.load_gather(sidxb, [b * BATCH + k * 16 + iota])
                    pltpu.async_copy(rbufs[sl].at[pl.ds(k * 16, 16)],
                                     shared.at[sidxv], sas[sl], add=True)

            def adds_wait(sl):
                for k in range(BATCH // 16):
                    pltpu.make_async_copy(rbufs[sl].at[pl.ds(k * 16, 16)],
                                          shared.at[pl.ds(0, 16)], sas[sl]).wait()

            @pl.when(nb > 0)
            def _():
                g_issue(0, 0)

            @pl.when(nb > 1)
            def _():
                g_issue(1, 1)

            def pair(j, _):
                for sl in range(2):
                    b = 2 * j + sl

                    @pl.when(b < nb)
                    def _():
                        g_wait(b, sl)
                        adds_issue(b, sl)
                for sl in range(2):
                    b = 2 * j + sl

                    @pl.when(b + 2 < nb)
                    def _():
                        adds_wait(sl)
                        g_issue(b + 2, sl)
                return 0
            lax.fori_loop(0, (nb + 1) // 2, pair, 0)

            @pl.when(nb > 0)
            def _():
                adds_wait(0)

            @pl.when(nb > 1)
            def _():
                adds_wait(1)
            return 0
        lax.fori_loop(0, TILE_E // SEG, seg_loop, 0)
        plsc.subcore_barrier()

        def wb(jj, _):
            j = s + 16 * jj
            @pl.when((j < WB_N) & (base + j * WB_CH < N_NODES))
            def _():
                pltpu.sync_copy(shared.at[pl.ds(j * WB_CH, WB_CH)],
                                out_hbm.at[pl.ds(base + j * WB_CH, WB_CH)])
            return 0
        lax.fori_loop(0, WB_N // 16 + 1, wb, 0)
        plsc.subcore_barrier()
        return 0

    lax.fori_loop(0, N_PASS, one_pass, 0)


@jax.jit
def _sc_scatter(dst_pad, msg, zin):
    mesh = plsc.VectorSubcoreMesh(core_axis_name="c", subcore_axis_name="s")
    return pl.kernel(
        _scatter_body,
        out_type=jax.ShapeDtypeStruct((N_OUT_PAD, HIDDEN), jnp.float32),
        mesh=mesh,
        scratch_types=[
            pltpu.VMEM((SEG,), jnp.int32),
            pltpu.VMEM((SEG + BATCH,), jnp.int32),
            pltpu.VMEM((SEG + BATCH,), jnp.int32),
            pltpu.VMEM((BATCH, HIDDEN), jnp.float32),
            pltpu.VMEM((BATCH, HIDDEN), jnp.float32),
            pltpu.VMEM((ZCH, HIDDEN), jnp.float32),
            pltpu.VMEM_SHARED((SP_ROWS, HIDDEN), jnp.float32),
            pltpu.SemaphoreType.DMA,
            pltpu.SemaphoreType.DMA,
            pltpu.SemaphoreType.DMA,
            pltpu.SemaphoreType.DMA,
        ],
        compiler_params=pltpu.CompilerParams(needs_layout_passes=False),
    )(dst_pad, msg, zin)



def kernel(atom_feature, edge_index, bond_feature, node2graph,
           W_in, b_in, W_msg, W_self, W_ro, b_ro, W_out, b_out):
    src = edge_index[0]
    dst = edge_index[1]
    n_layers = W_msg.shape[0]
    n_graphs = 100
    npad = E_PAD - N_EDGES

    src_pad = jnp.concatenate([src, jnp.zeros((npad,), jnp.int32)])
    dst_pad = jnp.concatenate([dst, jnp.full((npad,), DST_SENTINEL, jnp.int32)])
    zin = jnp.zeros((ZCH, HIDDEN), jnp.float32)

    h = _matmul_relu(atom_feature, W_in, b_in, bm=2000)

    for l in range(n_layers):
        wh = W_msg[l, :HIDDEN, :]
        wb = W_msg[l, HIDDEN:, :]
        gathered = _sc_gather(src_pad, h)
        msg = _msg_matmul(gathered, bond_feature, wh, wb, bm=2000)
        agg = _sc_scatter(dst_pad, msg, zin)
        h = _self_update(agg, h, W_self[l], bm=2000)

    ones = jnp.ones((N_NODES, 1), dtype=jnp.float32)
    counts = jax.ops.segment_sum(ones, node2graph, num_segments=n_graphs)
    g_sum = jax.ops.segment_sum(h, node2graph, num_segments=n_graphs)
    return _head(g_sum, counts, W_ro, b_ro, W_out, b_out)

# --- scband reference (transcript-rebuilt; emitter-appended) ---
"""Pipeline reference for scband-scoring-model-33543694582405 (READ-ONLY COPY).

The authoritative reference and input builder live on the scoring server;
editing this copy changes nothing except your own understanding.
"""

import jax, jax.numpy as jnp
import numpy as np

N_NODES = 100000
N_EDGES = 400000
N_GRAPHS = 100
NODE_DIM = 142
EDGE_DIM = 5
HIDDEN = 128
EMB = 100
N_LAYERS = 3


def setup_inputs(seed: int = 0) -> dict:
    key = jax.random.key(seed)
    ks = jax.random.split(key, 16)
    atom_feature = jax.random.normal(ks[0], (N_NODES, NODE_DIM), dtype=jnp.float32)
    edge_index = jax.random.randint(ks[1], (2, N_EDGES), 0, N_NODES, dtype=jnp.int32)
    bond_feature = jax.random.normal(ks[2], (N_EDGES, EDGE_DIM), dtype=jnp.float32)
    node2graph = jnp.sort(jax.random.randint(ks[3], (N_NODES,), 0, N_GRAPHS, dtype=jnp.int32))
    s = 0.05
    W_in = jax.random.normal(ks[4], (NODE_DIM, HIDDEN), dtype=jnp.float32) * s
    b_in = jnp.zeros((HIDDEN,), dtype=jnp.float32)
    W_msg = jax.random.normal(ks[5], (N_LAYERS, HIDDEN + EDGE_DIM, HIDDEN), dtype=jnp.float32) * s
    W_self = jax.random.normal(ks[6], (N_LAYERS, HIDDEN, HIDDEN), dtype=jnp.float32) * s
    W_ro = jax.random.normal(ks[7], (HIDDEN, EMB), dtype=jnp.float32) * s
    b_ro = jnp.zeros((EMB,), dtype=jnp.float32)
    W_out = jax.random.normal(ks[8], (EMB, 1), dtype=jnp.float32) * s
    b_out = jnp.zeros((1,), dtype=jnp.float32)
    return {
        "atom_feature": atom_feature,
        "edge_index": edge_index,
        "bond_feature": bond_feature,
        "node2graph": node2graph,
        "W_in": W_in, "b_in": b_in,
        "W_msg": W_msg, "W_self": W_self,
        "W_ro": W_ro, "b_ro": b_ro,
        "W_out": W_out, "b_out": b_out,
    }


def reference(atom_feature, edge_index, bond_feature, node2graph,
              W_in, b_in, W_msg, W_self, W_ro, b_ro, W_out, b_out):
    src = edge_index[0]
    dst = edge_index[1]
    # input projection of concatenated one-hot atom features (142-d)
    h = jax.nn.relu(atom_feature @ W_in + b_in)
    # message passing layers: gather src node states, mix with bond features,
    # scatter-add into dst nodes
    for l in range(N_LAYERS):
        m_in = jnp.concatenate([jnp.take(h, src, axis=0), bond_feature], axis=-1)
        msg = jax.nn.relu(m_in @ W_msg[l])
        agg = jax.ops.segment_sum(msg, dst, num_segments=N_NODES)
        h = jax.nn.relu(agg + h @ W_self[l])
    # graph-level readout (mean pool over node2graph), producing 100-d embedding
    ones = jnp.ones((N_NODES, 1), dtype=jnp.float32)
    counts = jax.ops.segment_sum(ones, node2graph, num_segments=N_GRAPHS)
    g_sum = jax.ops.segment_sum(h, node2graph, num_segments=N_GRAPHS)
    g = g_sum / jnp.maximum(counts, 1.0)
    emb = jax.nn.relu(g @ W_ro + b_ro)
    # final scoring head: Linear(100, 1) + squeeze
    out = (emb @ W_out + b_out)[:, 0]
    return out

if __name__ == "__main__":
    import jax
    _d = setup_inputs()
    print(jax.jit(kernel)(*tuple(_d.values())))

</pallas_src>

<mosaic_0001>
#map = affine_map<(d0, d1) -> (0)>
#map1 = affine_map<(d0, d1) -> (0, 0)>
module attributes {stable_mosaic.version = 14 : i64} {
  func.func @_scatter_body(%arg0: i32, %arg1: i32, %arg2: memref<409600xi32, #tpu.memory_space<hbm>>, %arg3: memref<400000x128xf32, #tpu.memory_space<hbm>>, %arg4: memref<32x128xf32, #tpu.memory_space<hbm>>, %arg5: memref<113280x128xf32, #tpu.memory_space<hbm>>, %arg6: memref<6400xi32, #tpu.memory_space<vmem>>, %arg7: memref<6464xi32, #tpu.memory_space<vmem>>, %arg8: memref<6464xi32, #tpu.memory_space<vmem>>, %arg9: memref<64x128xf32, #tpu.memory_space<vmem>>, %arg10: memref<64x128xf32, #tpu.memory_space<vmem>>, %arg11: memref<32x128xf32, #tpu.memory_space<vmem>>, %arg12: memref<11360x128xf32, #tpu.memory_space<vmem_shared>>, %arg13: memref<!tpu.dma_semaphore, #tpu.memory_space<semaphore_mem>>, %arg14: memref<!tpu.dma_semaphore, #tpu.memory_space<semaphore_mem>>, %arg15: memref<!tpu.dma_semaphore, #tpu.memory_space<semaphore_mem>>, %arg16: memref<!tpu.dma_semaphore, #tpu.memory_space<semaphore_mem>>) attributes {dimension_semantics = [#tpu.dimension_semantics<core_parallel>, #tpu.dimension_semantics<subcore_parallel>], iteration_bounds = array<i64: 2, 16>, scalar_prefetch = 0 : i64, scratch_operands = 11 : i64, tpu.core_type = #tpu.core_type<sc_vector_subcore>, window_params = [{transform_indices = #map}, {transform_indices = #map1}, {transform_indices = #map1}, {transform_indices = #map1}]} {
    %iota3A = tpu.iota {dimensions = array<i32: 0>} : vector<16xi32>
    %mul3A = arith.constant 25600 : i32
    %mul3A_0 = arith.muli %arg1, %mul3A : i32
    "tpu.region"() ({
      %run_scoped3A = tpu.sem_alloc : memref<!tpu.dma_semaphore, #tpu.memory_space<semaphore_mem>>
      tpu.enqueue_dma source(%arg4 : memref<32x128xf32, #tpu.memory_space<hbm>>) target(%arg11 : memref<32x128xf32, #tpu.memory_space<vmem>>) target_semaphore(%run_scoped3A : memref<!tpu.dma_semaphore, #tpu.memory_space<semaphore_mem>>)
      tpu.wait_dma2 semaphore(%run_scoped3A : memref<!tpu.dma_semaphore, #tpu.memory_space<semaphore_mem>>) src(%arg4 : memref<32x128xf32, #tpu.memory_space<hbm>>) dst(%arg11 : memref<32x128xf32, #tpu.memory_space<vmem>>)
      tpu.yield
    }) : () -> ()
    %scan3A = arith.constant 0 : i32
    %scan3A_1 = arith.constant 0 : i32
    %scan3A_2 = arith.constant 5 : i32
    %scan3A_3 = arith.addi %scan3A_1, %scan3A_2 : i32
    %scan3A_4 = arith.constant 1 : i32
    %scan3A_5 = scf.for %scan3A_7 = %scan3A_1 to %scan3A_3 step %scan3A_4 iter_args(%scan3A_8 = %scan3A) -> (i32)  : i32 {
      %mul3A_9 = arith.constant 2 : i32
      %mul3A_10 = arith.muli %mul3A_9, %scan3A_7 : i32
      %add3A = arith.addi %mul3A_10, %arg0 : i32
      %mul3A_11 = arith.constant 11328 : i32
      %mul3A_12 = arith.muli %add3A, %mul3A_11 : i32
      %add3A_13 = arith.constant 11328 : i32
      %add3A_14 = arith.addi %mul3A_12, %add3A_13 : i32
      %scan3A_15 = arith.constant 0 : i32
      %scan3A_16 = arith.constant 0 : i32
      %scan3A_17 = arith.constant 23 : i32
      %scan3A_18 = arith.addi %scan3A_16, %scan3A_17 : i32
      %scan3A_19 = arith.constant 1 : i32
      %scan3A_20 = scf.for %scan3A_39 = %scan3A_16 to %scan3A_18 step %scan3A_19 iter_args(%scan3A_40 = %scan3A_15) -> (i32)  : i32 {
        %mul3A_41 = arith.constant 16 : i32
        %mul3A_42 = arith.muli %mul3A_41, %scan3A_39 : i32
        %add3A_43 = arith.addi %arg1, %mul3A_42 : i32
        %lt3A = arith.constant 355 : i32
        %lt3A_44 = arith.cmpi slt, %add3A_43, %lt3A : i32
        %convert_element_type3A = arith.extui %lt3A_44 : i1 to i32
        %cond3A = arith.constant 0 : i32
        %cond3A_45 = arith.cmpi ne, %convert_element_type3A, %cond3A : i32
        scf.if %cond3A_45 {
          %mul3A_47 = arith.constant 32 : i32
          %mul3A_48 = arith.muli %add3A_43, %mul3A_47 : i32
          "tpu.region"() ({
            %run_scoped3A = tpu.sem_alloc : memref<!tpu.dma_semaphore, #tpu.memory_space<semaphore_mem>>
            %dma_start3A = arith.constant 0 : i32
            %dma_start3A_49 = tpu.memref_slice %arg12[%mul3A_48, %dma_start3A] : memref<11360x128xf32, #tpu.memory_space<vmem_shared>> -> memref<32x128xf32, #tpu.memory_space<vmem_shared>>
            %dma_start3A_50 = arith.constant 0 : i32
            %dma_start3A_51 = tpu.memref_slice %arg12[%mul3A_48, %dma_start3A_50] : memref<11360x128xf32, #tpu.memory_space<vmem_shared>> -> memref<32x128xf32, #tpu.memory_space<vmem_shared>>
            tpu.enqueue_dma source(%arg11 : memref<32x128xf32, #tpu.memory_space<vmem>>) target(%dma_start3A_51 : memref<32x128xf32, #tpu.memory_space<vmem_shared>>) target_semaphore(%run_scoped3A : memref<!tpu.dma_semaphore, #tpu.memory_space<semaphore_mem>>)
            %dma_wait3A = arith.constant 0 : i32
            %dma_wait3A_52 = tpu.memref_slice %arg12[%mul3A_48, %dma_wait3A] : memref<11360x128xf32, #tpu.memory_space<vmem_shared>> -> memref<32x128xf32, #tpu.memory_space<vmem_shared>>
            %dma_wait3A_53 = arith.constant 0 : i32
            %dma_wait3A_54 = tpu.memref_slice %arg12[%mul3A_48, %dma_wait3A_53] : memref<11360x128xf32, #tpu.memory_space<vmem_shared>> -> memref<32x128xf32, #tpu.memory_space<vmem_shared>>
            tpu.wait_dma2 semaphore(%run_scoped3A : memref<!tpu.dma_semaphore, #tpu.memory_space<semaphore_mem>>) src(%arg11 : memref<32x128xf32, #tpu.memory_space<vmem>>) dst(%dma_wait3A_54 : memref<32x128xf32, #tpu.memory_space<vmem_shared>>)
            tpu.yield
          }) : () -> ()
        } else {
        }
        %scan3A_46 = arith.constant 0 : i32
        scf.yield %scan3A_46 : i32
      }
      %scan3A_21 = arith.constant 23 : i32
      %barrier3A = arith.constant 0 : index
      tpu.barrier barrier_id(%barrier3A)
      %scan3A_22 = arith.constant 0 : i32
      %scan3A_23 = arith.constant 0 : i32
      %scan3A_24 = arith.constant 4 : i32
      %scan3A_25 = arith.addi %scan3A_23, %scan3A_24 : i32
      %scan3A_26 = arith.constant 1 : i32
      %scan3A_27 = scf.for %scan3A_39 = %scan3A_23 to %scan3A_25 step %scan3A_26 iter_args(%scan3A_40 = %scan3A_22) -> (i32)  : i32 {
        %mul3A_41 = arith.constant 6400 : i32
        %mul3A_42 = arith.muli %scan3A_39, %mul3A_41 : i32
        %add3A_43 = arith.addi %mul3A_0, %mul3A_42 : i32
        "tpu.region"() ({
          %run_scoped3A = tpu.sem_alloc : memref<!tpu.dma_semaphore, #tpu.memory_space<semaphore_mem>>
          %dma_start3A = tpu.memref_slice %arg2[%add3A_43] : memref<409600xi32, #tpu.memory_space<hbm>> -> memref<6400xi32, #tpu.memory_space<hbm>>
          %dma_start3A_190 = tpu.memref_slice %arg2[%add3A_43] : memref<409600xi32, #tpu.memory_space<hbm>> -> memref<6400xi32, #tpu.memory_space<hbm>>
          tpu.enqueue_dma source(%dma_start3A_190 : memref<6400xi32, #tpu.memory_space<hbm>>) target(%arg6 : memref<6400xi32, #tpu.memory_space<vmem>>) target_semaphore(%run_scoped3A : memref<!tpu.dma_semaphore, #tpu.memory_space<semaphore_mem>>)
          %dma_wait3A = tpu.memref_slice %arg2[%add3A_43] : memref<409600xi32, #tpu.memory_space<hbm>> -> memref<6400xi32, #tpu.memory_space<hbm>>
          %dma_wait3A_191 = tpu.memref_slice %arg2[%add3A_43] : memref<409600xi32, #tpu.memory_space<hbm>> -> memref<6400xi32, #tpu.memory_space<hbm>>
          tpu.wait_dma2 semaphore(%run_scoped3A : memref<!tpu.dma_semaphore, #tpu.memory_space<semaphore_mem>>) src(%dma_wait3A_191 : memref<6400xi32, #tpu.memory_space<hbm>>) dst(%arg6 : memref<6400xi32, #tpu.memory_space<vmem>>)
          tpu.yield
        }) : () -> ()
        %scan3A_44 = arith.constant 0 : i32
        %scan3A_45 = arith.constant 0 : i32
        %scan3A_46 = arith.constant 400 : i32
        %scan3A_47 = arith.addi %scan3A_45, %scan3A_46 : i32
        %scan3A_48 = arith.constant 1 : i32
        %scan3A_49 = scf.for %scan3A_190 = %scan3A_45 to %scan3A_47 step %scan3A_48 iter_args(%scan3A_191 = %scan3A_44) -> (i32)  : i32 {
          %mul3A_192 = arith.constant 16 : i32
          %mul3A_193 = arith.muli %scan3A_190, %mul3A_192 : i32
          %get3A = arith.index_cast %mul3A_193 : i32 to index
          %get3A_194 = tpu.vector_load %arg6[%get3A] {strides = array<i32>} : memref<6400xi32, #tpu.memory_space<vmem>>, vector<16xi32>,
          %ge3A = vector.broadcast %mul3A_12 : i32 to vector<16xi32>
          %ge3A_195 = arith.cmpi sge, %get3A_194, %ge3A : vector<16xi32>
          %lt3A = vector.broadcast %add3A_14 : i32 to vector<16xi32>
          %lt3A_196 = arith.cmpi slt, %get3A_194, %lt3A : vector<16xi32>
          %and3A_197 = arith.andi %ge3A_195, %lt3A_196 : vector<16xi1>
          %jit3A_198 = arith.constant 1 : i32
          %jit3A_199 = arith.constant 0 : i32
          %broadcast_in_dim3A = vector.broadcast %jit3A_198 : i32 to vector<16xi32>
          %broadcast_in_dim3A_200 = vector.broadcast %jit3A_199 : i32 to vector<16xi32>
          %select_n3A_201 = arith.select %and3A_197, %broadcast_in_dim3A, %broadcast_in_dim3A_200 : vector<16xi1>, vector<16xi32>
          %broadcast_in_dim3A_202 = arith.constant true
          %broadcast_in_dim3A_203 = vector.broadcast %broadcast_in_dim3A_202 : i1 to vector<16xi1>
          %masked_cumsum3A = tpu.scan <sum>, %select_n3A_201 masked %broadcast_in_dim3A_203 : vector<16xi32>, vector<16xi1> -> vector<16xi32>
          %add3A_204 = vector.broadcast %scan3A_191 : i32 to vector<16xi32>
          %add3A_205 = arith.addi %add3A_204, %masked_cumsum3A : vector<16xi32>
          %sub3A_206 = arith.constant 1 : i32
          %sub3A_207 = vector.broadcast %sub3A_206 : i32 to vector<16xi32>
          %sub3A_208 = arith.subi %add3A_205, %sub3A_207 : vector<16xi32>
          %mul3A_209 = arith.constant 16 : i32
          %mul3A_210 = arith.muli %scan3A_190, %mul3A_209 : i32
          %add3A_211 = arith.addi %add3A_43, %mul3A_210 : i32
          %add3A_212 = vector.broadcast %add3A_211 : i32 to vector<16xi32>
          %add3A_213 = arith.addi %add3A_212, %iota3A : vector<16xi32>
          tpu.vector_store_idx %arg7[%sub3A_208], %add3A_213 masked %and3A_197 : memref<6464xi32, #tpu.memory_space<vmem>>[vector<16xi32>], vector<16xi32>, vector<16xi1>
          %sub3A_214 = vector.broadcast %mul3A_12 : i32 to vector<16xi32>
          %sub3A_215 = arith.subi %get3A_194, %sub3A_214 : vector<16xi32>
          tpu.vector_store_idx %arg8[%sub3A_208], %sub3A_215 masked %and3A_197 : memref<6464xi32, #tpu.memory_space<vmem>>[vector<16xi32>], vector<16xi32>, vector<16xi1>
          %all_reduce_population_count3A = tpu.all_reduce %and3A_197 {dim = 0 : i64, kind = #tpu.reduction_kind<sum>} : vector<16xi1> -> vector<16xi32>
          %slice3A = vector.extract_strided_slice %all_reduce_population_count3A {offsets = [0], sizes = [1], strides = [1]} : vector<16xi32> to vector<1xi32>
          %squeeze3A = vector.extract %slice3A[0] : i32 from vector<1xi32>
          %add3A_216 = arith.addi %scan3A_191, %squeeze3A : i32
          scf.yield %add3A_216 : i32
        }
        %scan3A_50 = arith.constant 400 : i32
        %add3A_51 = arith.constant 0 : i32
        %add3A_52 = arith.addi %scan3A_49, %add3A_51 : i32
        %add3A_53 = vector.broadcast %add3A_52 : i32 to vector<16xi32>
        %add3A_54 = arith.addi %add3A_53, %iota3A : vector<16xi32>
        %add3A_55 = arith.constant 11328 : i32
        %add3A_56 = vector.broadcast %add3A_55 : i32 to vector<16xi32>
        %add3A_57 = arith.addi %add3A_56, %iota3A : vector<16xi32>
        %add3A_58 = arith.constant 0 : i32
        %add3A_59 = vector.broadcast %add3A_58 : i32 to vector<16xi32>
        %add3A_60 = arith.addi %add3A_57, %add3A_59 : vector<16xi32>
        tpu.vector_store_idx %arg8[%add3A_54], %add3A_60 : memref<6464xi32, #tpu.memory_space<vmem>>[vector<16xi32>], vector<16xi32>,
        %add3A_61 = arith.constant 0 : i32
        %add3A_62 = vector.broadcast %add3A_61 : i32 to vector<16xi32>
        %add3A_63 = arith.addi %add3A_62, %iota3A : vector<16xi32>
        %mul3A_64 = arith.constant 64 : i32
        %mul3A_65 = vector.broadcast %mul3A_64 : i32 to vector<16xi32>
        %mul3A_66 = arith.muli %add3A_63, %mul3A_65 : vector<16xi32>
        tpu.vector_store_idx %arg7[%add3A_54], %mul3A_66 : memref<6464xi32, #tpu.memory_space<vmem>>[vector<16xi32>], vector<16xi32>,
        %add3A_67 = arith.constant 16 : i32
        %add3A_68 = arith.addi %scan3A_49, %add3A_67 : i32
        %add3A_69 = vector.broadcast %add3A_68 : i32 to vector<16xi32>
        %add3A_70 = arith.addi %add3A_69, %iota3A : vector<16xi32>
        %add3A_71 = arith.constant 11328 : i32
        %add3A_72 = vector.broadcast %add3A_71 : i32 to vector<16xi32>
        %add3A_73 = arith.addi %add3A_72, %iota3A : vector<16xi32>
        %add3A_74 = arith.constant 16 : i32
        %add3A_75 = vector.broadcast %add3A_74 : i32 to vector<16xi32>
        %add3A_76 = arith.addi %add3A_73, %add3A_75 : vector<16xi32>
        tpu.vector_store_idx %arg8[%add3A_70], %add3A_76 : memref<6464xi32, #tpu.memory_space<vmem>>[vector<16xi32>], vector<16xi32>,
        %add3A_77 = arith.constant 16 : i32
        %add3A_78 = vector.broadcast %add3A_77 : i32 to vector<16xi32>
        %add3A_79 = arith.addi %add3A_78, %iota3A : vector<16xi32>
        %mul3A_80 = arith.constant 64 : i32
        %mul3A_81 = vector.broadcast %mul3A_80 : i32 to vector<16xi32>
        %mul3A_82 = arith.muli %add3A_79, %mul3A_81 : vector<16xi32>
        tpu.vector_store_idx %arg7[%add3A_70], %mul3A_82 : memref<6464xi32, #tpu.memory_space<vmem>>[vector<16xi32>], vector<16xi32>,
        %add3A_83 = arith.constant 32 : i32
        %add3A_84 = arith.addi %scan3A_49, %add3A_83 : i32
        %add3A_85 = vector.broadcast %add3A_84 : i32 to vector<16xi32>
        %add3A_86 = arith.addi %add3A_85, %iota3A : vector<16xi32>
        %add3A_87 = arith.constant 11328 : i32
        %add3A_88 = vector.broadcast %add3A_87 : i32 to vector<16xi32>
        %add3A_89 = arith.addi %add3A_88, %iota3A : vector<16xi32>
        %add3A_90 = arith.constant 0 : i32
        %add3A_91 = vector.broadcast %add3A_90 : i32 to vector<16xi32>
        %add3A_92 = arith.addi %add3A_89, %add3A_91 : vector<16xi32>
        tpu.vector_store_idx %arg8[%add3A_86], %add3A_92 : memref<6464xi32, #tpu.memory_space<vmem>>[vector<16xi32>], vector<16xi32>,
        %add3A_93 = arith.constant 32 : i32
        %add3A_94 = vector.broadcast %add3A_93 : i32 to vector<16xi32>
        %add3A_95 = arith.addi %add3A_94, %iota3A : vector<16xi32>
        %mul3A_96 = arith.constant 64 : i32
        %mul3A_97 = vector.broadcast %mul3A_96 : i32 to vector<16xi32>
        %mul3A_98 = arith.muli %add3A_95, %mul3A_97 : vector<16xi32>
        tpu.vector_store_idx %arg7[%add3A_86], %mul3A_98 : memref<6464xi32, #tpu.memory_space<vmem>>[vector<16xi32>], vector<16xi32>,
        %add3A_99 = arith.constant 48 : i32
        %add3A_100 = arith.addi %scan3A_49, %add3A_99 : i32
        %add3A_101 = vector.broadcast %add3A_100 : i32 to vector<16xi32>
        %add3A_102 = arith.addi %add3A_101, %iota3A : vector<16xi32>
        %add3A_103 = arith.constant 11328 : i32
        %add3A_104 = vector.broadcast %add3A_103 : i32 to vector<16xi32>
        %add3A_105 = arith.addi %add3A_104, %iota3A : vector<16xi32>
        %add3A_106 = arith.constant 16 : i32
        %add3A_107 = vector.broadcast %add3A_106 : i32 to vector<16xi32>
        %add3A_108 = arith.addi %add3A_105, %add3A_107 : vector<16xi32>
        tpu.vector_store_idx %arg8[%add3A_102], %add3A_108 : memref<6464xi32, #tpu.memory_space<vmem>>[vector<16xi32>], vector<16xi32>,
        %add3A_109 = arith.constant 48 : i32
        %add3A_110 = vector.broadcast %add3A_109 : i32 to vector<16xi32>
        %add3A_111 = arith.addi %add3A_110, %iota3A : vector<16xi32>
        %mul3A_112 = arith.constant 64 : i32
        %mul3A_113 = vector.broadcast %mul3A_112 : i32 to vector<16xi32>
        %mul3A_114 = arith.muli %add3A_111, %mul3A_113 : vector<16xi32>
        tpu.vector_store_idx %arg7[%add3A_102], %mul3A_114 : memref<6464xi32, #tpu.memory_space<vmem>>[vector<16xi32>], vector<16xi32>,
        %add3A_115 = arith.constant 64 : i32
        %add3A_116 = arith.addi %scan3A_49, %add3A_115 : i32
        %sub3A = arith.constant 1 : i32
        %sub3A_117 = arith.subi %add3A_116, %sub3A : i32
        %jit3A = arith.constant 64 : i32
        %div3A = arith.divsi %sub3A_117, %jit3A : i32
        %sign3A = arith.constant 0 : i32
        %sign3A_118 = arith.cmpi sgt, %sub3A_117, %sign3A : i32
        %sign3A_119 = arith.extui %sign3A_118 : i1 to i32
        %sign3A_120 = arith.constant 0 : i32
        %sign3A_121 = arith.cmpi slt, %sub3A_117, %sign3A_120 : i32
        %sign3A_122 = arith.extui %sign3A_121 : i1 to i32
        %sign3A_123 = arith.subi %sign3A_119, %sign3A_122 : i32
        %sign3A_124 = arith.constant 0 : i32
        %sign3A_125 = arith.cmpi sgt, %jit3A, %sign3A_124 : i32
        %sign3A_126 = arith.extui %sign3A_125 : i1 to i32
        %sign3A_127 = arith.constant 0 : i32
        %sign3A_128 = arith.cmpi slt, %jit3A, %sign3A_127 : i32
        %sign3A_129 = arith.extui %sign3A_128 : i1 to i32
        %sign3A_130 = arith.subi %sign3A_126, %sign3A_129 : i32
        %ne3A = arith.cmpi ne, %sign3A_123, %sign3A_130 : i32
        %rem3A = arith.remsi %sub3A_117, %jit3A : i32
        %ne3A_131 = arith.constant 0 : i32
        %ne3A_132 = arith.cmpi ne, %rem3A, %ne3A_131 : i32
        %and3A = arith.andi %ne3A, %ne3A_132 : i1
        %sub3A_133 = arith.constant 1 : i32
        %sub3A_134 = arith.subi %div3A, %sub3A_133 : i32
        %select_n3A = arith.select %and3A, %sub3A_134, %div3A : i32
        %gt3A = arith.constant 0 : i32
        %gt3A_135 = arith.cmpi sgt, %select_n3A, %gt3A : i32
        %convert_element_type3A = arith.extui %gt3A_135 : i1 to i32
        %cond3A = arith.constant 0 : i32
        %cond3A_136 = arith.cmpi ne, %convert_element_type3A, %cond3A : i32
        scf.if %cond3A_136 {
          %dma_start3A = arith.constant 0 : i32
          %dma_start3A_190 = tpu.memref_slice %arg7[%dma_start3A] : memref<6464xi32, #tpu.memory_space<vmem>> -> memref<64xi32, #tpu.memory_space<vmem>>
          %dma_start3A_191 = arith.constant 0 : i32
          %dma_start3A_192 = arith.constant 0 : i32
          %dma_start3A_193 = tpu.memref_slice %arg3[%dma_start3A_191, %dma_start3A_192] : memref<400000x128xf32, #tpu.memory_space<hbm>> -> memref<400000x128xf32, #tpu.memory_space<hbm>>
          tpu.enqueue_indirect_dma source(%dma_start3A_193 : memref<400000x128xf32, #tpu.memory_space<hbm>>) target(%arg9 : memref<64x128xf32, #tpu.memory_space<vmem>>) offsets(%dma_start3A_190 : memref<64xi32, #tpu.memory_space<vmem>>) semaphore(%arg13 : memref<!tpu.dma_semaphore, #tpu.memory_space<semaphore_mem>>)
        } else {
        }
        %gt3A_137 = arith.constant 1 : i32
        %gt3A_138 = arith.cmpi sgt, %select_n3A, %gt3A_137 : i32
        %convert_element_type3A_139 = arith.extui %gt3A_138 : i1 to i32
        %cond3A_140 = arith.constant 0 : i32
        %cond3A_141 = arith.cmpi ne, %convert_element_type3A_139, %cond3A_140 : i32
        scf.if %cond3A_141 {
          %dma_start3A = arith.constant 64 : i32
          %dma_start3A_190 = tpu.memref_slice %arg7[%dma_start3A] : memref<6464xi32, #tpu.memory_space<vmem>> -> memref<64xi32, #tpu.memory_space<vmem>>
          %dma_start3A_191 = arith.constant 0 : i32
          %dma_start3A_192 = arith.constant 0 : i32
          %dma_start3A_193 = tpu.memref_slice %arg3[%dma_start3A_191, %dma_start3A_192] : memref<400000x128xf32, #tpu.memory_space<hbm>> -> memref<400000x128xf32, #tpu.memory_space<hbm>>
          tpu.enqueue_indirect_dma source(%dma_start3A_193 : memref<400000x128xf32, #tpu.memory_space<hbm>>) target(%arg10 : memref<64x128xf32, #tpu.memory_space<vmem>>) offsets(%dma_start3A_190 : memref<64xi32, #tpu.memory_space<vmem>>) semaphore(%arg14 : memref<!tpu.dma_semaphore, #tpu.memory_space<semaphore_mem>>)
        } else {
        }
        %add3A_142 = arith.constant 1 : i32
        %add3A_143 = arith.addi %select_n3A, %add3A_142 : i32
        %jit3A_144 = arith.constant 2 : i32
        %div3A_145 = arith.divsi %add3A_143, %jit3A_144 : i32
        %sign3A_146 = arith.constant 0 : i32
        %sign3A_147 = arith.cmpi sgt, %add3A_143, %sign3A_146 : i32
        %sign3A_148 = arith.extui %sign3A_147 : i1 to i32
        %sign3A_149 = arith.constant 0 : i32
        %sign3A_150 = arith.cmpi slt, %add3A_143, %sign3A_149 : i32
        %sign3A_151 = arith.extui %sign3A_150 : i1 to i32
        %sign3A_152 = arith.subi %sign3A_148, %sign3A_151 : i32
        %sign3A_153 = arith.constant 0 : i32
        %sign3A_154 = arith.cmpi sgt, %jit3A_144, %sign3A_153 : i32
        %sign3A_155 = arith.extui %sign3A_154 : i1 to i32
        %sign3A_156 = arith.constant 0 : i32
        %sign3A_157 = arith.cmpi slt, %jit3A_144, %sign3A_156 : i32
        %sign3A_158 = arith.extui %sign3A_157 : i1 to i32
        %sign3A_159 = arith.subi %sign3A_155, %sign3A_158 : i32
        %ne3A_160 = arith.cmpi ne, %sign3A_152, %sign3A_159 : i32
        %rem3A_161 = arith.remsi %add3A_143, %jit3A_144 : i32
        %ne3A_162 = arith.constant 0 : i32
        %ne3A_163 = arith.cmpi ne, %rem3A_161, %ne3A_162 : i32
        %and3A_164 = arith.andi %ne3A_160, %ne3A_163 : i1
        %sub3A_165 = arith.constant 1 : i32
        %sub3A_166 = arith.subi %div3A_145, %sub3A_165 : i32
        %select_n3A_167 = arith.select %and3A_164, %sub3A_166, %div3A_145 : i32
        %while3A = arith.constant 0 : i32
        %while3A_168 = arith.constant 0 : i32
        %while3A_169 = arith.subi %select_n3A_167, %while3A : i32
        %while3A_170 = arith.addi %while3A, %while3A_169 : i32
        %while3A_171 = arith.constant 1 : i32
        %while3A_172 = arith.divsi %while3A_169, %while3A_171 : i32
        %while3A_173 = arith.muli %while3A_172, %while3A_171 : i32
        %while3A_174 = arith.addi %while3A, %while3A_173 : i32
        %while3A_175 = arith.constant 1 : i32
        %while3A_176 = scf.for %while3A_190 = %while3A to %while3A_174 step %while3A_175 iter_args(%while3A_191 = %while3A_168) -> (i32)  : i32 {
          %mul3A_192 = arith.constant 2 : i32
          %mul3A_193 = arith.muli %mul3A_192, %while3A_190 : i32
          %add3A_194 = arith.constant 0 : i32
          %add3A_195 = arith.addi %mul3A_193, %add3A_194 : i32
          %lt3A = arith.cmpi slt, %add3A_195, %select_n3A : i32
          %convert_element_type3A_196 = arith.extui %lt3A : i1 to i32
          %cond3A_197 = arith.constant 0 : i32
          %cond3A_198 = arith.cmpi ne, %convert_element_type3A_196, %cond3A_197 : i32
          scf.if %cond3A_198 {
            %mul3A_228 = arith.constant 64 : i32
            %mul3A_229 = arith.muli %add3A_195, %mul3A_228 : i32
            %dma_wait3A = tpu.memref_slice %arg7[%mul3A_229] : memref<6464xi32, #tpu.memory_space<vmem>> -> memref<64xi32, #tpu.memory_space<vmem>>
            %dma_wait3A_230 = arith.constant 0 : i32
            %dma_wait3A_231 = arith.constant 0 : i32
            %dma_wait3A_232 = tpu.memref_slice %arg3[%dma_wait3A_230, %dma_wait3A_231] : memref<400000x128xf32, #tpu.memory_space<hbm>> -> memref<400000x128xf32, #tpu.memory_space<hbm>>
            tpu.wait_indirect_dma semaphore(%arg13 : memref<!tpu.dma_semaphore, #tpu.memory_space<semaphore_mem>>) src(%dma_wait3A_232 : memref<400000x128xf32, #tpu.memory_space<hbm>>) dst(%arg9 : memref<64x128xf32, #tpu.memory_space<vmem>>)
            %mul3A_233 = arith.constant 64 : i32
            %mul3A_234 = arith.muli %add3A_195, %mul3A_233 : i32
            %add3A_235 = arith.constant 0 : i32
            %add3A_236 = arith.addi %mul3A_234, %add3A_235 : i32
            %add3A_237 = vector.broadcast %add3A_236 : i32 to vector<16xi32>
            %add3A_238 = arith.addi %add3A_237, %iota3A : vector<16xi32>
            %gather3A = tpu.vector_load_idx %arg8[%add3A_238] : memref<6464xi32, #tpu.memory_space<vmem>>[vector<16xi32>], vector<16xi32>,
            %dma_start3A = arith.constant 0 : i32
            %dma_start3A_239 = arith.constant 0 : i32
            %dma_start3A_240 = tpu.memref_slice %arg9[%dma_start3A, %dma_start3A_239] : memref<64x128xf32, #tpu.memory_space<vmem>> -> memref<16x128xf32, #tpu.memory_space<vmem>>
            %dma_start3A_241 = arith.constant 0 : i32
            %dma_start3A_242 = arith.constant 0 : i32
            %dma_start3A_243 = tpu.memref_slice %arg12[%dma_start3A_241, %dma_start3A_242] : memref<11360x128xf32, #tpu.memory_space<vmem_shared>> -> memref<11360x128xf32, #tpu.memory_space<vmem_shared>>
            tpu.enqueue_indirect_dma source(%dma_start3A_240 : memref<16x128xf32, #tpu.memory_space<vmem>>) target(%dma_start3A_243 : memref<11360x128xf32, #tpu.memory_space<vmem_shared>>) offsets(%gather3A : vector<16xi32>) semaphore(%arg15 : memref<!tpu.dma_semaphore, #tpu.memory_space<semaphore_mem>>) {add = true}
            %mul3A_244 = arith.constant 64 : i32
            %mul3A_245 = arith.muli %add3A_195, %mul3A_244 : i32
            %add3A_246 = arith.constant 16 : i32
            %add3A_247 = arith.addi %mul3A_245, %add3A_246 : i32
            %add3A_248 = vector.broadcast %add3A_247 : i32 to vector<16xi32>
            %add3A_249 = arith.addi %add3A_248, %iota3A : vector<16xi32>
            %gather3A_250 = tpu.vector_load_idx %arg8[%add3A_249] : memref<6464xi32, #tpu.memory_space<vmem>>[vector<16xi32>], vector<16xi32>,
            %dma_start3A_251 = arith.constant 16 : i32
            %dma_start3A_252 = arith.constant 0 : i32
            %dma_start3A_253 = tpu.memref_slice %arg9[%dma_start3A_251, %dma_start3A_252] : memref<64x128xf32, #tpu.memory_space<vmem>> -> memref<16x128xf32, #tpu.memory_space<vmem>>
            %dma_start3A_254 = arith.constant 0 : i32
            %dma_start3A_255 = arith.constant 0 : i32
            %dma_start3A_256 = tpu.memref_slice %arg12[%dma_start3A_254, %dma_start3A_255] : memref<11360x128xf32, #tpu.memory_space<vmem_shared>> -> memref<11360x128xf32, #tpu.memory_space<vmem_shared>>
            tpu.enqueue_indirect_dma source(%dma_start3A_253 : memref<16x128xf32, #tpu.memory_space<vmem>>) target(%dma_start3A_256 : memref<11360x128xf32, #tpu.memory_space<vmem_shared>>) offsets(%gather3A_250 : vector<16xi32>) semaphore(%arg15 : memref<!tpu.dma_semaphore, #tpu.memory_space<semaphore_mem>>) {add = true}
            %mul3A_257 = arith.constant 64 : i32
            %mul3A_258 = arith.muli %add3A_195, %mul3A_257 : i32
            %add3A_259 = arith.constant 32 : i32
            %add3A_260 = arith.addi %mul3A_258, %add3A_259 : i32
            %add3A_261 = vector.broadcast %add3A_260 : i32 to vector<16xi32>
            %add3A_262 = arith.addi %add3A_261, %iota3A : vector<16xi32>
            %gather3A_263 = tpu.vector_load_idx %arg8[%add3A_262] : memref<6464xi32, #tpu.memory_space<vmem>>[vector<16xi32>], vector<16xi32>,
            %dma_start3A_264 = arith.constant 32 : i32
            %dma_start3A_265 = arith.constant 0 : i32
            %dma_start3A_266 = tpu.memref_slice %arg9[%dma_start3A_264, %dma_start3A_265] : memref<64x128xf32, #tpu.memory_space<vmem>> -> memref<16x128xf32, #tpu.memory_space<vmem>>
            %dma_start3A_267 = arith.constant 0 : i32
            %dma_start3A_268 = arith.constant 0 : i32
            %dma_start3A_269 = tpu.memref_slice %arg12[%dma_start3A_267, %dma_start3A_268] : memref<11360x128xf32, #tpu.memory_space<vmem_shared>> -> memref<11360x128xf32, #tpu.memory_space<vmem_shared>>
            tpu.enqueue_indirect_dma source(%dma_start3A_266 : memref<16x128xf32, #tpu.memory_space<vmem>>) target(%dma_start3A_269 : memref<11360x128xf32, #tpu.memory_space<vmem_shared>>) offsets(%gather3A_263 : vector<16xi32>) semaphore(%arg15 : memref<!tpu.dma_semaphore, #tpu.memory_space<semaphore_mem>>) {add = true}
            %mul3A_270 = arith.constant 64 : i32
            %mul3A_271 = arith.muli %add3A_195, %mul3A_270 : i32
            %add3A_272 = arith.constant 48 : i32
            %add3A_273 = arith.addi %mul3A_271, %add3A_272 : i32
            %add3A_274 = vector.broadcast %add3A_273 : i32 to vector<16xi32>
            %add3A_275 = arith.addi %add3A_274, %iota3A : vector<16xi32>
            %gather3A_276 = tpu.vector_load_idx %arg8[%add3A_275] : memref<6464xi32, #tpu.memory_space<vmem>>[vector<16xi32>], vector<16xi32>,
            %dma_start3A_277 = arith.constant 48 : i32
            %dma_start3A_278 = arith.constant 0 : i32
            %dma_start3A_279 = tpu.memref_slice %arg9[%dma_start3A_277, %dma_start3A_278] : memref<64x128xf32, #tpu.memory_space<vmem>> -> memref<16x128xf32, #tpu.memory_space<vmem>>
            %dma_start3A_280 = arith.constant 0 : i32
            %dma_start3A_281 = arith.constant 0 : i32
            %dma_start3A_282 = tpu.memref_slice %arg12[%dma_start3A_280, %dma_start3A_281] : memref<11360x128xf32, #tpu.memory_space<vmem_shared>> -> memref<11360x128xf32, #tpu.memory_space<vmem_shared>>
            tpu.enqueue_indirect_dma source(%dma_start3A_279 : memref<16x128xf32, #tpu.memory_space<vmem>>) target(%dma_start3A_282 : memref<11360x128xf32, #tpu.memory_space<vmem_shared>>) offsets(%gather3A_276 : vector<16xi32>) semaphore(%arg15 : memref<!tpu.dma_semaphore, #tpu.memory_space<semaphore_mem>>) {add = true}
          } else {
          }
          %mul3A_199 = arith.constant 2 : i32
          %mul3A_200 = arith.muli %mul3A_199, %while3A_190 : i32
          %add3A_201 = arith.constant 1 : i32
          %add3A_202 = arith.addi %mul3A_200, %add3A_201 : i32
          %lt3A_203 = arith.cmpi slt, %add3A_202, %select_n3A : i32
          %convert_element_type3A_204 = arith.extui %lt3A_203 : i1 to i32
          %cond3A_205 = arith.constant 0 : i32
          %cond3A_206 = arith.cmpi ne, %convert_element_type3A_204, %cond3A_205 : i32
          scf.if %cond3A_206 {
            %mul3A_228 = arith.constant 64 : i32
            %mul3A_229 = arith.muli %add3A_202, %mul3A_228 : i32
            %dma_wait3A = tpu.memref_slice %arg7[%mul3A_229] : memref<6464xi32, #tpu.memory_space<vmem>> -> memref<64xi32, #tpu.memory_space<vmem>>
            %dma_wait3A_230 = arith.constant 0 : i32
            %dma_wait3A_231 = arith.constant 0 : i32
            %dma_wait3A_232 = tpu.memref_slice %arg3[%dma_wait3A_230, %dma_wait3A_231] : memref<400000x128xf32, #tpu.memory_space<hbm>> -> memref<400000x128xf32, #tpu.memory_space<hbm>>
            tpu.wait_indirect_dma semaphore(%arg14 : memref<!tpu.dma_semaphore, #tpu.memory_space<semaphore_mem>>) src(%dma_wait3A_232 : memref<400000x128xf32, #tpu.memory_space<hbm>>) dst(%arg10 : memref<64x128xf32, #tpu.memory_space<vmem>>)
            %mul3A_233 = arith.constant 64 : i32
            %mul3A_234 = arith.muli %add3A_202, %mul3A_233 : i32
            %add3A_235 = arith.constant 0 : i32
            %add3A_236 = arith.addi %mul3A_234, %add3A_235 : i32
            %add3A_237 = vector.broadcast %add3A_236 : i32 to vector<16xi32>
            %add3A_238 = arith.addi %add3A_237, %iota3A : vector<16xi32>
            %gather3A = tpu.vector_load_idx %arg8[%add3A_238] : memref<6464xi32, #tpu.memory_space<vmem>>[vector<16xi32>], vector<16xi32>,
            %dma_start3A = arith.constant 0 : i32
            %dma_start3A_239 = arith.constant 0 : i32
            %dma_start3A_240 = tpu.memref_slice %arg10[%dma_start3A, %dma_start3A_239] : memref<64x128xf32, #tpu.memory_space<vmem>> -> memref<16x128xf32, #tpu.memory_space<vmem>>
            %dma_start3A_241 = arith.constant 0 : i32
            %dma_start3A_242 = arith.constant 0 : i32
            %dma_start3A_243 = tpu.memref_slice %arg12[%dma_start3A_241, %dma_start3A_242] : memref<11360x128xf32, #tpu.memory_space<vmem_shared>> -> memref<11360x128xf32, #tpu.memory_space<vmem_shared>>
            tpu.enqueue_indirect_dma source(%dma_start3A_240 : memref<16x128xf32, #tpu.memory_space<vmem>>) target(%dma_start3A_243 : memref<11360x128xf32, #tpu.memory_space<vmem_shared>>) offsets(%gather3A : vector<16xi32>) semaphore(%arg16 : memref<!tpu.dma_semaphore, #tpu.memory_space<semaphore_mem>>) {add = true}
            %mul3A_244 = arith.constant 64 : i32
            %mul3A_245 = arith.muli %add3A_202, %mul3A_244 : i32
            %add3A_246 = arith.constant 16 : i32
            %add3A_247 = arith.addi %mul3A_245, %add3A_246 : i32
            %add3A_248 = vector.broadcast %add3A_247 : i32 to vector<16xi32>
            %add3A_249 = arith.addi %add3A_248, %iota3A : vector<16xi32>
            %gather3A_250 = tpu.vector_load_idx %arg8[%add3A_249] : memref<6464xi32, #tpu.memory_space<vmem>>[vector<16xi32>], vector<16xi32>,
            %dma_start3A_251 = arith.constant 16 : i32
            %dma_start3A_252 = arith.constant 0 : i32
            %dma_start3A_253 = tpu.memref_slice %arg10[%dma_start3A_251, %dma_start3A_252] : memref<64x128xf32, #tpu.memory_space<vmem>> -> memref<16x128xf32, #tpu.memory_space<vmem>>
            %dma_start3A_254 = arith.constant 0 : i32
            %dma_start3A_255 = arith.constant 0 : i32
            %dma_start3A_256 = tpu.memref_slice %arg12[%dma_start3A_254, %dma_start3A_255] : memref<11360x128xf32, #tpu.memory_space<vmem_shared>> -> memref<11360x128xf32, #tpu.memory_space<vmem_shared>>
            tpu.enqueue_indirect_dma source(%dma_start3A_253 : memref<16x128xf32, #tpu.memory_space<vmem>>) target(%dma_start3A_256 : memref<11360x128xf32, #tpu.memory_space<vmem_shared>>) offsets(%gather3A_250 : vector<16xi32>) semaphore(%arg16 : memref<!tpu.dma_semaphore, #tpu.memory_space<semaphore_mem>>) {add = true}
            %mul3A_257 = arith.constant 64 : i32
            %mul3A_258 = arith.muli %add3A_202, %mul3A_257 : i32
            %add3A_259 = arith.constant 32 : i32
            %add3A_260 = arith.addi %mul3A_258, %add3A_259 : i32
            %add3A_261 = vector.broadcast %add3A_260 : i32 to vector<16xi32>
            %add3A_262 = arith.addi %add3A_261, %iota3A : vector<16xi32>
            %gather3A_263 = tpu.vector_load_idx %arg8[%add3A_262] : memref<6464xi32, #tpu.memory_space<vmem>>[vector<16xi32>], vector<16xi32>,
            %dma_start3A_264 = arith.constant 32 : i32
            %dma_start3A_265 = arith.constant 0 : i32
            %dma_start3A_266 = tpu.memref_slice %arg10[%dma_start3A_264, %dma_start3A_265] : memref<64x128xf32, #tpu.memory_space<vmem>> -> memref<16x128xf32, #tpu.memory_space<vmem>>
            %dma_start3A_267 = arith.constant 0 : i32
            %dma_start3A_268 = arith.constant 0 : i32
            %dma_start3A_269 = tpu.memref_slice %arg12[%dma_start3A_267, %dma_start3A_268] : memref<11360x128xf32, #tpu.memory_space<vmem_shared>> -> memref<11360x128xf32, #tpu.memory_space<vmem_shared>>
            tpu.enqueue_indirect_dma source(%dma_start3A_266 : memref<16x128xf32, #tpu.memory_space<vmem>>) target(%dma_start3A_269 : memref<11360x128xf32, #tpu.memory_space<vmem_shared>>) offsets(%gather3A_263 : vector<16xi32>) semaphore(%arg16 : memref<!tpu.dma_semaphore, #tpu.memory_space<semaphore_mem>>) {add = true}
            %mul3A_270 = arith.constant 64 : i32
            %mul3A_271 = arith.muli %add3A_202, %mul3A_270 : i32
            %add3A_272 = arith.constant 48 : i32
            %add3A_273 = arith.addi %mul3A_271, %add3A_272 : i32
            %add3A_274 = vector.broadcast %add3A_273 : i32 to vector<16xi32>
            %add3A_275 = arith.addi %add3A_274, %iota3A : vector<16xi32>
            %gather3A_276 = tpu.vector_load_idx %arg8[%add3A_275] : memref<6464xi32, #tpu.memory_space<vmem>>[vector<16xi32>], vector<16xi32>,
            %dma_start3A_277 = arith.constant 48 : i32
            %dma_start3A_278 = arith.constant 0 : i32
            %dma_start3A_279 = tpu.memref_slice %arg10[%dma_start3A_277, %dma_start3A_278] : memref<64x128xf32, #tpu.memory_space<vmem>> -> memref<16x128xf32, #tpu.memory_space<vmem>>
            %dma_start3A_280 = arith.constant 0 : i32
            %dma_start3A_281 = arith.constant 0 : i32
            %dma_start3A_282 = tpu.memref_slice %arg12[%dma_start3A_280, %dma_start3A_281] : memref<11360x128xf32, #tpu.memory_space<vmem_shared>> -> memref<11360x128xf32, #tpu.memory_space<vmem_shared>>
            tpu.enqueue_indirect_dma source(%dma_start3A_279 : memref<16x128xf32, #tpu.memory_space<vmem>>) target(%dma_start3A_282 : memref<11360x128xf32, #tpu.memory_space<vmem_shared>>) offsets(%gather3A_276 : vector<16xi32>) semaphore(%arg16 : memref<!tpu.dma_semaphore, #tpu.memory_space<semaphore_mem>>) {add = true}
          } else {
          }
          %mul3A_207 = arith.constant 2 : i32
          %mul3A_208 = arith.muli %mul3A_207, %while3A_190 : i32
          %add3A_209 = arith.constant 0 : i32
          %add3A_210 = arith.addi %mul3A_208, %add3A_209 : i32
          %add3A_211 = arith.constant 2 : i32
          %add3A_212 = arith.addi %add3A_210, %add3A_211 : i32
          %lt3A_213 = arith.cmpi slt, %add3A_212, %select_n3A : i32
          %convert_element_type3A_214 = arith.extui %lt3A_213 : i1 to i32
          %cond3A_215 = arith.constant 0 : i32
          %cond3A_216 = arith.cmpi ne, %convert_element_type3A_214, %cond3A_215 : i32
          scf.if %cond3A_216 {
            %dma_wait3A = arith.constant 0 : i32
            %dma_wait3A_228 = arith.constant 0 : i32
            %dma_wait3A_229 = tpu.memref_slice %arg9[%dma_wait3A, %dma_wait3A_228] : memref<64x128xf32, #tpu.memory_space<vmem>> -> memref<16x128xf32, #tpu.memory_space<vmem>>
            %dma_wait3A_230 = arith.constant 0 : i32
            %dma_wait3A_231 = arith.constant 0 : i32
            %dma_wait3A_232 = tpu.memref_slice %arg12[%dma_wait3A_230, %dma_wait3A_231] : memref<11360x128xf32, #tpu.memory_space<vmem_shared>> -> memref<16x128xf32, #tpu.memory_space<vmem_shared>>
            %dma_wait3A_233 = arith.constant 0 : i32
            %dma_wait3A_234 = arith.constant 0 : i32
            %dma_wait3A_235 = tpu.memref_slice %arg12[%dma_wait3A_233, %dma_wait3A_234] : memref<11360x128xf32, #tpu.memory_space<vmem_shared>> -> memref<16x128xf32, #tpu.memory_space<vmem_shared>>
            %dma_wait3A_236 = arith.constant 0 : i32
            %dma_wait3A_237 = arith.constant 0 : i32
            %dma_wait3A_238 = tpu.memref_slice %arg9[%dma_wait3A_236, %dma_wait3A_237] : memref<64x128xf32, #tpu.memory_space<vmem>> -> memref<16x128xf32, #tpu.memory_space<vmem>>
            tpu.wait_dma2 semaphore(%arg15 : memref<!tpu.dma_semaphore, #tpu.memory_space<semaphore_mem>>) src(%dma_wait3A_238 : memref<16x128xf32, #tpu.memory_space<vmem>>) dst(%dma_wait3A_235 : memref<16x128xf32, #tpu.memory_space<vmem_shared>>)
            %dma_wait3A_239 = arith.constant 16 : i32
            %dma_wait3A_240 = arith.constant 0 : i32
            %dma_wait3A_241 = tpu.memref_slice %arg9[%dma_wait3A_239, %dma_wait3A_240] : memref<64x128xf32, #tpu.memory_space<vmem>> -> memref<16x128xf32, #tpu.memory_space<vmem>>
            %dma_wait3A_242 = arith.constant 0 : i32
            %dma_wait3A_243 = arith.constant 0 : i32
            %dma_wait3A_244 = tpu.memref_slice %arg12[%dma_wait3A_242, %dma_wait3A_243] : memref<11360x128xf32, #tpu.memory_space<vmem_shared>> -> memref<16x128xf32, #tpu.memory_space<vmem_shared>>
            %dma_wait3A_245 = arith.constant 0 : i32
            %dma_wait3A_246 = arith.constant 0 : i32
            %dma_wait3A_247 = tpu.memref_slice %arg12[%dma_wait3A_245, %dma_wait3A_246] : memref<11360x128xf32, #tpu.memory_space<vmem_shared>> -> memref<16x128xf32, #tpu.memory_space<vmem_shared>>
            %dma_wait3A_248 = arith.constant 16 : i32
            %dma_wait3A_249 = arith.constant 0 : i32
            %dma_wait3A_250 = tpu.memref_slice %arg9[%dma_wait3A_248, %dma_wait3A_249] : memref<64x128xf32, #tpu.memory_space<vmem>> -> memref<16x128xf32, #tpu.memory_space<vmem>>
            tpu.wait_dma2 semaphore(%arg15 : memref<!tpu.dma_semaphore, #tpu.memory_space<semaphore_mem>>) src(%dma_wait3A_250 : memref<16x128xf32, #tpu.memory_space<vmem>>) dst(%dma_wait3A_247 : memref<16x128xf32, #tpu.memory_space<vmem_shared>>)
            %dma_wait3A_251 = arith.constant 32 : i32
            %dma_wait3A_252 = arith.constant 0 : i32
            %dma_wait3A_253 = tpu.memref_slice %arg9[%dma_wait3A_251, %dma_wait3A_252] : memref<64x128xf32, #tpu.memory_space<vmem>> -> memref<16x128xf32, #tpu.memory_space<vmem>>
            %dma_wait3A_254 = arith.constant 0 : i32
            %dma_wait3A_255 = arith.constant 0 : i32
            %dma_wait3A_256 = tpu.memref_slice %arg12[%dma_wait3A_254, %dma_wait3A_255] : memref<11360x128xf32, #tpu.memory_space<vmem_shared>> -> memref<16x128xf32, #tpu.memory_space<vmem_shared>>
            %dma_wait3A_257 = arith.constant 0 : i32
            %dma_wait3A_258 = arith.constant 0 : i32
            %dma_wait3A_259 = tpu.memref_slice %arg12[%dma_wait3A_257, %dma_wait3A_258] : memref<11360x128xf32, #tpu.memory_space<vmem_shared>> -> memref<16x128xf32, #tpu.memory_space<vmem_shared>>
            %dma_wait3A_260 = arith.constant 32 : i32
            %dma_wait3A_261 = arith.constant 0 : i32
            %dma_wait3A_262 = tpu.memref_slice %arg9[%dma_wait3A_260, %dma_wait3A_261] : memref<64x128xf32, #tpu.memory_space<vmem>> -> memref<16x128xf32, #tpu.memory_space<vmem>>
            tpu.wait_dma2 semaphore(%arg15 : memref<!tpu.dma_semaphore, #tpu.memory_space<semaphore_mem>>) src(%dma_wait3A_262 : memref<16x128xf32, #tpu.memory_space<vmem>>) dst(%dma_wait3A_259 : memref<16x128xf32, #tpu.memory_space<vmem_shared>>)
            %dma_wait3A_263 = arith.constant 48 : i32
            %dma_wait3A_264 = arith.constant 0 : i32
            %dma_wait3A_265 = tpu.memref_slice %arg9[%dma_wait3A_263, %dma_wait3A_264] : memref<64x128xf32, #tpu.memory_space<vmem>> -> memref<16x128xf32, #tpu.memory_space<vmem>>
            %dma_wait3A_266 = arith.constant 0 : i32
            %dma_wait3A_267 = arith.constant 0 : i32
            %dma_wait3A_268 = tpu.memref_slice %arg12[%dma_wait3A_266, %dma_wait3A_267] : memref<11360x128xf32, #tpu.memory_space<vmem_shared>> -> memref<16x128xf32, #tpu.memory_space<vmem_shared>>
            %dma_wait3A_269 = arith.constant 0 : i32
            %dma_wait3A_270 = arith.constant 0 : i32
            %dma_wait3A_271 = tpu.memref_slice %arg12[%dma_wait3A_269, %dma_wait3A_270] : memref<11360x128xf32, #tpu.memory_space<vmem_shared>> -> memref<16x128xf32, #tpu.memory_space<vmem_shared>>
            %dma_wait3A_272 = arith.constant 48 : i32
            %dma_wait3A_273 = arith.constant 0 : i32
            %dma_wait3A_274 = tpu.memref_slice %arg9[%dma_wait3A_272, %dma_wait3A_273] : memref<64x128xf32, #tpu.memory_space<vmem>> -> memref<16x128xf32, #tpu.memory_space<vmem>>
            tpu.wait_dma2 semaphore(%arg15 : memref<!tpu.dma_semaphore, #tpu.memory_space<semaphore_mem>>) src(%dma_wait3A_274 : memref<16x128xf32, #tpu.memory_space<vmem>>) dst(%dma_wait3A_271 : memref<16x128xf32, #tpu.memory_space<vmem_shared>>)
            %add3A_275 = arith.constant 2 : i32
            %add3A_276 = arith.addi %add3A_210, %add3A_275 : i32
            %mul3A_277 = arith.constant 64 : i32
            %mul3A_278 = arith.muli %add3A_276, %mul3A_277 : i32
            %dma_start3A = tpu.memref_slice %arg7[%mul3A_278] : memref<6464xi32, #tpu.memory_space<vmem>> -> memref<64xi32, #tpu.memory_space<vmem>>
            %dma_start3A_279 = arith.constant 0 : i32
            %dma_start3A_280 = arith.constant 0 : i32
            %dma_start3A_281 = tpu.memref_slice %arg3[%dma_start3A_279, %dma_start3A_280] : memref<400000x128xf32, #tpu.memory_space<hbm>> -> memref<400000x128xf32, #tpu.memory_space<hbm>>
            tpu.enqueue_indirect_dma source(%dma_start3A_281 : memref<400000x128xf32, #tpu.memory_space<hbm>>) target(%arg9 : memref<64x128xf32, #tpu.memory_space<vmem>>) offsets(%dma_start3A : memref<64xi32, #tpu.memory_space<vmem>>) semaphore(%arg13 : memref<!tpu.dma_semaphore, #tpu.memory_space<semaphore_mem>>)
          } else {
          }
          %mul3A_217 = arith.constant 2 : i32
          %mul3A_218 = arith.muli %mul3A_217, %while3A_190 : i32
          %add3A_219 = arith.constant 1 : i32
          %add3A_220 = arith.addi %mul3A_218, %add3A_219 : i32
          %add3A_221 = arith.constant 2 : i32
          %add3A_222 = arith.addi %add3A_220, %add3A_221 : i32
          %lt3A_223 = arith.cmpi slt, %add3A_222, %select_n3A : i32
          %convert_element_type3A_224 = arith.extui %lt3A_223 : i1 to i32
          %cond3A_225 = arith.constant 0 : i32
          %cond3A_226 = arith.cmpi ne, %convert_element_type3A_224, %cond3A_225 : i32
          scf.if %cond3A_226 {
            %dma_wait3A = arith.constant 0 : i32
            %dma_wait3A_228 = arith.constant 0 : i32
            %dma_wait3A_229 = tpu.memref_slice %arg10[%dma_wait3A, %dma_wait3A_228] : memref<64x128xf32, #tpu.memory_space<vmem>> -> memref<16x128xf32, #tpu.memory_space<vmem>>
            %dma_wait3A_230 = arith.constant 0 : i32
            %dma_wait3A_231 = arith.constant 0 : i32
            %dma_wait3A_232 = tpu.memref_slice %arg12[%dma_wait3A_230, %dma_wait3A_231] : memref<11360x128xf32, #tpu.memory_space<vmem_shared>> -> memref<16x128xf32, #tpu.memory_space<vmem_shared>>
            %dma_wait3A_233 = arith.constant 0 : i32
            %dma_wait3A_234 = arith.constant 0 : i32
            %dma_wait3A_235 = tpu.memref_slice %arg12[%dma_wait3A_233, %dma_wait3A_234] : memref<11360x128xf32, #tpu.memory_space<vmem_shared>> -> memref<16x128xf32, #tpu.memory_space<vmem_shared>>
            %dma_wait3A_236 = arith.constant 0 : i32
            %dma_wait3A_237 = arith.constant 0 : i32
            %dma_wait3A_238 = tpu.memref_slice %arg10[%dma_wait3A_236, %dma_wait3A_237] : memref<64x128xf32, #tpu.memory_space<vmem>> -> memref<16x128xf32, #tpu.memory_space<vmem>>
            tpu.wait_dma2 semaphore(%arg16 : memref<!tpu.dma_semaphore, #tpu.memory_space<semaphore_mem>>) src(%dma_wait3A_238 : memref<16x128xf32, #tpu.memory_space<vmem>>) dst(%dma_wait3A_235 : memref<16x128xf32, #tpu.memory_space<vmem_shared>>)
            %dma_wait3A_239 = arith.constant 16 : i32
            %dma_wait3A_240 = arith.constant 0 : i32
            %dma_wait3A_241 = tpu.memref_slice %arg10[%dma_wait3A_239, %dma_wait3A_240] : memref<64x128xf32, #tpu.memory_space<vmem>> -> memref<16x128xf32, #tpu.memory_space<vmem>>
            %dma_wait3A_242 = arith.constant 0 : i32
            %dma_wait3A_243 = arith.constant 0 : i32
            %dma_wait3A_244 = tpu.memref_slice %arg12[%dma_wait3A_242, %dma_wait3A_243] : memref<11360x128xf32, #tpu.memory_space<vmem_shared>> -> memref<16x128xf32, #tpu.memory_space<vmem_shared>>
            %dma_wait3A_245 = arith.constant 0 : i32
            %dma_wait3A_246 = arith.constant 0 : i32
            %dma_wait3A_247 = tpu.memref_slice %arg12[%dma_wait3A_245, %dma_wait3A_246] : memref<11360x128xf32, #tpu.memory_space<vmem_shared>> -> memref<16x128xf32, #tpu.memory_space<vmem_shared>>
            %dma_wait3A_248 = arith.constant 16 : i32
            %dma_wait3A_249 = arith.constant 0 : i32
            %dma_wait3A_250 = tpu.memref_slice %arg10[%dma_wait3A_248, %dma_wait3A_249] : memref<64x128xf32, #tpu.memory_space<vmem>> -> memref<16x128xf32, #tpu.memory_space<vmem>>
            tpu.wait_dma2 semaphore(%arg16 : memref<!tpu.dma_semaphore, #tpu.memory_space<semaphore_mem>>) src(%dma_wait3A_250 : memref<16x128xf32, #tpu.memory_space<vmem>>) dst(%dma_wait3A_247 : memref<16x128xf32, #tpu.memory_space<vmem_shared>>)
            %dma_wait3A_251 = arith.constant 32 : i32
            %dma_wait3A_252 = arith.constant 0 : i32
            %dma_wait3A_253 = tpu.memref_slice %arg10[%dma_wait3A_251, %dma_wait3A_252] : memref<64x128xf32, #tpu.memory_space<vmem>> -> memref<16x128xf32, #tpu.memory_space<vmem>>
            %dma_wait3A_254 = arith.constant 0 : i32
            %dma_wait3A_255 = arith.constant 0 : i32
            %dma_wait3A_256 = tpu.memref_slice %arg12[%dma_wait3A_254, %dma_wait3A_255] : memref<11360x128xf32, #tpu.memory_space<vmem_shared>> -> memref<16x128xf32, #tpu.memory_space<vmem_shared>>
            %dma_wait3A_257 = arith.constant 0 : i32
            %dma_wait3A_258 = arith.constant 0 : i32
            %dma_wait3A_259 = tpu.memref_slice %arg12[%dma_wait3A_257, %dma_wait3A_258] : memref<11360x128xf32, #tpu.memory_space<vmem_shared>> -> memref<16x128xf32, #tpu.memory_space<vmem_shared>>
            %dma_wait3A_260 = arith.constant 32 : i32
            %dma_wait3A_261 = arith.constant 0 : i32
            %dma_wait3A_262 = tpu.memref_slice %arg10[%dma_wait3A_260, %dma_wait3A_261] : memref<64x128xf32, #tpu.memory_space<vmem>> -> memref<16x128xf32, #tpu.memory_space<vmem>>
            tpu.wait_dma2 semaphore(%arg16 : memref<!tpu.dma_semaphore, #tpu.memory_space<semaphore_mem>>) src(%dma_wait3A_262 : memref<16x128xf32, #tpu.memory_space<vmem>>) dst(%dma_wait3A_259 : memref<16x128xf32, #tpu.memory_space<vmem_shared>>)
            %dma_wait3A_263 = arith.constant 48 : i32
            %dma_wait3A_264 = arith.constant 0 : i32
            %dma_wait3A_265 = tpu.memref_slice %arg10[%dma_wait3A_263, %dma_wait3A_264] : memref<64x128xf32, #tpu.memory_space<vmem>> -> memref<16x128xf32, #tpu.memory_space<vmem>>
            %dma_wait3A_266 = arith.constant 0 : i32
            %dma_wait3A_267 = arith.constant 0 : i32
            %dma_wait3A_268 = tpu.memref_slice %arg12[%dma_wait3A_266, %dma_wait3A_267] : memref<11360x128xf32, #tpu.memory_space<vmem_shared>> -> memref<16x128xf32, #tpu.memory_space<vmem_shared>>
            %dma_wait3A_269 = arith.constant 0 : i32
            %dma_wait3A_270 = arith.constant 0 : i32
            %dma_wait3A_271 = tpu.memref_slice %arg12[%dma_wait3A_269, %dma_wait3A_270] : memref<11360x128xf32, #tpu.memory_space<vmem_shared>> -> memref<16x128xf32, #tpu.memory_space<vmem_shared>>
            %dma_wait3A_272 = arith.constant 48 : i32
            %dma_wait3A_273 = arith.constant 0 : i32
            %dma_wait3A_274 = tpu.memref_slice %arg10[%dma_wait3A_272, %dma_wait3A_273] : memref<64x128xf32, #tpu.memory_space<vmem>> -> memref<16x128xf32, #tpu.memory_space<vmem>>
            tpu.wait_dma2 semaphore(%arg16 : memref<!tpu.dma_semaphore, #tpu.memory_space<semaphore_mem>>) src(%dma_wait3A_274 : memref<16x128xf32, #tpu.memory_space<vmem>>) dst(%dma_wait3A_271 : memref<16x128xf32, #tpu.memory_space<vmem_shared>>)
            %add3A_275 = arith.constant 2 : i32
            %add3A_276 = arith.addi %add3A_220, %add3A_275 : i32
            %mul3A_277 = arith.constant 64 : i32
            %mul3A_278 = arith.muli %add3A_276, %mul3A_277 : i32
            %dma_start3A = tpu.memref_slice %arg7[%mul3A_278] : memref<6464xi32, #tpu.memory_space<vmem>> -> memref<64xi32, #tpu.memory_space<vmem>>
            %dma_start3A_279 = arith.constant 0 : i32
            %dma_start3A_280 = arith.constant 0 : i32
            %dma_start3A_281 = tpu.memref_slice %arg3[%dma_start3A_279, %dma_start3A_280] : memref<400000x128xf32, #tpu.memory_space<hbm>> -> memref<400000x128xf32, #tpu.memory_space<hbm>>
            tpu.enqueue_indirect_dma source(%dma_start3A_281 : memref<400000x128xf32, #tpu.memory_space<hbm>>) target(%arg10 : memref<64x128xf32, #tpu.memory_space<vmem>>) offsets(%dma_start3A : memref<64xi32, #tpu.memory_space<vmem>>) semaphore(%arg14 : memref<!tpu.dma_semaphore, #tpu.memory_space<semaphore_mem>>)
          } else {
          }
          %while3A_227 = arith.constant 0 : i32
          scf.yield %while3A_227 : i32
        }
        %while3A_177 = arith.constant 1 : i32
        %while3A_178 = scf.for %while3A_190 = %while3A_174 to %while3A_170 step %while3A_177 iter_args(%while3A_191 = %while3A_176) -> (i32)  : i32 {
          %mul3A_192 = arith.constant 2 : i32
          %mul3A_193 = arith.muli %mul3A_192, %while3A_190 : i32
          %add3A_194 = arith.constant 0 : i32
          %add3A_195 = arith.addi %mul3A_193, %add3A_194 : i32
          %lt3A = arith.cmpi slt, %add3A_195, %select_n3A : i32
          %convert_element_type3A_196 = arith.extui %lt3A : i1 to i32
          %cond3A_197 = arith.constant 0 : i32
          %cond3A_198 = arith.cmpi ne, %convert_element_type3A_196, %cond3A_197 : i32
          scf.if %cond3A_198 {
            %mul3A_228 = arith.constant 64 : i32
            %mul3A_229 = arith.muli %add3A_195, %mul3A_228 : i32
            %dma_wait3A = tpu.memref_slice %arg7[%mul3A_229] : memref<6464xi32, #tpu.memory_space<vmem>> -> memref<64xi32, #tpu.memory_space<vmem>>
            %dma_wait3A_230 = arith.constant 0 : i32
            %dma_wait3A_231 = arith.constant 0 : i32
            %dma_wait3A_232 = tpu.memref_slice %arg3[%dma_wait3A_230, %dma_wait3A_231] : memref<400000x128xf32, #tpu.memory_space<hbm>> -> memref<400000x128xf32, #tpu.memory_space<hbm>>
            tpu.wait_indirect_dma semaphore(%arg13 : memref<!tpu.dma_semaphore, #tpu.memory_space<semaphore_mem>>) src(%dma_wait3A_232 : memref<400000x128xf32, #tpu.memory_space<hbm>>) dst(%arg9 : memref<64x128xf32, #tpu.memory_space<vmem>>)
            %mul3A_233 = arith.constant 64 : i32
            %mul3A_234 = arith.muli %add3A_195, %mul3A_233 : i32
            %add3A_235 = arith.constant 0 : i32
            %add3A_236 = arith.addi %mul3A_234, %add3A_235 : i32
            %add3A_237 = vector.broadcast %add3A_236 : i32 to vector<16xi32>
            %add3A_238 = arith.addi %add3A_237, %iota3A : vector<16xi32>
            %gather3A = tpu.vector_load_idx %arg8[%add3A_238] : memref<6464xi32, #tpu.memory_space<vmem>>[vector<16xi32>], vector<16xi32>,
            %dma_start3A = arith.constant 0 : i32
            %dma_start3A_239 = arith.constant 0 : i32
            %dma_start3A_240 = tpu.memref_slice %arg9[%dma_start3A, %dma_start3A_239] : memref<64x128xf32, #tpu.memory_space<vmem>> -> memref<16x128xf32, #tpu.memory_space<vmem>>
            %dma_start3A_241 = arith.constant 0 : i32
            %dma_start3A_242 = arith.constant 0 : i32
            %dma_start3A_243 = tpu.memref_slice %arg12[%dma_start3A_241, %dma_start3A_242] : memref<11360x128xf32, #tpu.memory_space<vmem_shared>> -> memref<11360x128xf32, #tpu.memory_space<vmem_shared>>
            tpu.enqueue_indirect_dma source(%dma_start3A_240 : memref<16x128xf32, #tpu.memory_space<vmem>>) target(%dma_start3A_243 : memref<11360x128xf32, #tpu.memory_space<vmem_shared>>) offsets(%gather3A : vector<16xi32>) semaphore(%arg15 : memref<!tpu.dma_semaphore, #tpu.memory_space<semaphore_mem>>) {add = true}
            %mul3A_244 = arith.constant 64 : i32
            %mul3A_245 = arith.muli %add3A_195, %mul3A_244 : i32
            %add3A_246 = arith.constant 16 : i32
            %add3A_247 = arith.addi %mul3A_245, %add3A_246 : i32
            %add3A_248 = vector.broadcast %add3A_247 : i32 to vector<16xi32>
            %add3A_249 = arith.addi %add3A_248, %iota3A : vector<16xi32>
            %gather3A_250 = tpu.vector_load_idx %arg8[%add3A_249] : memref<6464xi32, #tpu.memory_space<vmem>>[vector<16xi32>], vector<16xi32>,
            %dma_start3A_251 = arith.constant 16 : i32
            %dma_start3A_252 = arith.constant 0 : i32
            %dma_start3A_253 = tpu.memref_slice %arg9[%dma_start3A_251, %dma_start3A_252] : memref<64x128xf32, #tpu.memory_space<vmem>> -> memref<16x128xf32, #tpu.memory_space<vmem>>
            %dma_start3A_254 = arith.constant 0 : i32
            %dma_start3A_255 = arith.constant 0 : i32
            %dma_start3A_256 = tpu.memref_slice %arg12[%dma_start3A_254, %dma_start3A_255] : memref<11360x128xf32, #tpu.memory_space<vmem_shared>> -> memref<11360x128xf32, #tpu.memory_space<vmem_shared>>
            tpu.enqueue_indirect_dma source(%dma_start3A_253 : memref<16x128xf32, #tpu.memory_space<vmem>>) target(%dma_start3A_256 : memref<11360x128xf32, #tpu.memory_space<vmem_shared>>) offsets(%gather3A_250 : vector<16xi32>) semaphore(%arg15 : memref<!tpu.dma_semaphore, #tpu.memory_space<semaphore_mem>>) {add = true}
            %mul3A_257 = arith.constant 64 : i32
            %mul3A_258 = arith.muli %add3A_195, %mul3A_257 : i32
            %add3A_259 = arith.constant 32 : i32
            %add3A_260 = arith.addi %mul3A_258, %add3A_259 : i32
            %add3A_261 = vector.broadcast %add3A_260 : i32 to vector<16xi32>
            %add3A_262 = arith.addi %add3A_261, %iota3A : vector<16xi32>
            %gather3A_263 = tpu.vector_load_idx %arg8[%add3A_262] : memref<6464xi32, #tpu.memory_space<vmem>>[vector<16xi32>], vector<16xi32>,
            %dma_start3A_264 = arith.constant 32 : i32
            %dma_start3A_265 = arith.constant 0 : i32
            %dma_start3A_266 = tpu.memref_slice %arg9[%dma_start3A_264, %dma_start3A_265] : memref<64x128xf32, #tpu.memory_space<vmem>> -> memref<16x128xf32, #tpu.memory_space<vmem>>
            %dma_start3A_267 = arith.constant 0 : i32
            %dma_start3A_268 = arith.constant 0 : i32
            %dma_start3A_269 = tpu.memref_slice %arg12[%dma_start3A_267, %dma_start3A_268] : memref<11360x128xf32, #tpu.memory_space<vmem_shared>> -> memref<11360x128xf32, #tpu.memory_space<vmem_shared>>
            tpu.enqueue_indirect_dma source(%dma_start3A_266 : memref<16x128xf32, #tpu.memory_space<vmem>>) target(%dma_start3A_269 : memref<11360x128xf32, #tpu.memory_space<vmem_shared>>) offsets(%gather3A_263 : vector<16xi32>) semaphore(%arg15 : memref<!tpu.dma_semaphore, #tpu.memory_space<semaphore_mem>>) {add = true}
            %mul3A_270 = arith.constant 64 : i32
            %mul3A_271 = arith.muli %add3A_195, %mul3A_270 : i32
            %add3A_272 = arith.constant 48 : i32
            %add3A_273 = arith.addi %mul3A_271, %add3A_272 : i32
            %add3A_274 = vector.broadcast %add3A_273 : i32 to vector<16xi32>
            %add3A_275 = arith.addi %add3A_274, %iota3A : vector<16xi32>
            %gather3A_276 = tpu.vector_load_idx %arg8[%add3A_275] : memref<6464xi32, #tpu.memory_space<vmem>>[vector<16xi32>], vector<16xi32>,
            %dma_start3A_277 = arith.constant 48 : i32
            %dma_start3A_278 = arith.constant 0 : i32
            %dma_start3A_279 = tpu.memref_slice %arg9[%dma_start3A_277, %dma_start3A_278] : memref<64x128xf32, #tpu.memory_space<vmem>> -> memref<16x128xf32, #tpu.memory_space<vmem>>
            %dma_start3A_280 = arith.constant 0 : i32
            %dma_start3A_281 = arith.constant 0 : i32
            %dma_start3A_282 = tpu.memref_slice %arg12[%dma_start3A_280, %dma_start3A_281] : memref<11360x128xf32, #tpu.memory_space<vmem_shared>> -> memref<11360x128xf32, #tpu.memory_space<vmem_shared>>
            tpu.enqueue_indirect_dma source(%dma_start3A_279 : memref<16x128xf32, #tpu.memory_space<vmem>>) target(%dma_start3A_282 : memref<11360x128xf32, #tpu.memory_space<vmem_shared>>) offsets(%gather3A_276 : vector<16xi32>) semaphore(%arg15 : memref<!tpu.dma_semaphore, #tpu.memory_space<semaphore_mem>>) {add = true}
          } else {
          }
          %mul3A_199 = arith.constant 2 : i32
          %mul3A_200 = arith.muli %mul3A_199, %while3A_190 : i32
          %add3A_201 = arith.constant 1 : i32
          %add3A_202 = arith.addi %mul3A_200, %add3A_201 : i32
          %lt3A_203 = arith.cmpi slt, %add3A_202, %select_n3A : i32
          %convert_element_type3A_204 = arith.extui %lt3A_203 : i1 to i32
          %cond3A_205 = arith.constant 0 : i32
          %cond3A_206 = arith.cmpi ne, %convert_element_type3A_204, %cond3A_205 : i32
          scf.if %cond3A_206 {
            %mul3A_228 = arith.constant 64 : i32
            %mul3A_229 = arith.muli %add3A_202, %mul3A_228 : i32
            %dma_wait3A = tpu.memref_slice %arg7[%mul3A_229] : memref<6464xi32, #tpu.memory_space<vmem>> -> memref<64xi32, #tpu.memory_space<vmem>>
            %dma_wait3A_230 = arith.constant 0 : i32
            %dma_wait3A_231 = arith.constant 0 : i32
            %dma_wait3A_232 = tpu.memref_slice %arg3[%dma_wait3A_230, %dma_wait3A_231] : memref<400000x128xf32, #tpu.memory_space<hbm>> -> memref<400000x128xf32, #tpu.memory_space<hbm>>
            tpu.wait_indirect_dma semaphore(%arg14 : memref<!tpu.dma_semaphore, #tpu.memory_space<semaphore_mem>>) src(%dma_wait3A_232 : memref<400000x128xf32, #tpu.memory_space<hbm>>) dst(%arg10 : memref<64x128xf32, #tpu.memory_space<vmem>>)
            %mul3A_233 = arith.constant 64 : i32
            %mul3A_234 = arith.muli %add3A_202, %mul3A_233 : i32
            %add3A_235 = arith.constant 0 : i32
            %add3A_236 = arith.addi %mul3A_234, %add3A_235 : i32
            %add3A_237 = vector.broadcast %add3A_236 : i32 to vector<16xi32>
            %add3A_238 = arith.addi %add3A_237, %iota3A : vector<16xi32>
            %gather3A = tpu.vector_load_idx %arg8[%add3A_238] : memref<6464xi32, #tpu.memory_space<vmem>>[vector<16xi32>], vector<16xi32>,
            %dma_start3A = arith.constant 0 : i32
            %dma_start3A_239 = arith.constant 0 : i32
            %dma_start3A_240 = tpu.memref_slice %arg10[%dma_start3A, %dma_start3A_239] : memref<64x128xf32, #tpu.memory_space<vmem>> -> memref<16x128xf32, #tpu.memory_space<vmem>>
            %dma_start3A_241 = arith.constant 0 : i32
            %dma_start3A_242 = arith.constant 0 : i32
            %dma_start3A_243 = tpu.memref_slice %arg12[%dma_start3A_241, %dma_start3A_242] : memref<11360x128xf32, #tpu.memory_space<vmem_shared>> -> memref<11360x128xf32, #tpu.memory_space<vmem_shared>>
            tpu.enqueue_indirect_dma source(%dma_start3A_240 : memref<16x128xf32, #tpu.memory_space<vmem>>) target(%dma_start3A_243 : memref<11360x128xf32, #tpu.memory_space<vmem_shared>>) offsets(%gather3A : vector<16xi32>) semaphore(%arg16 : memref<!tpu.dma_semaphore, #tpu.memory_space<semaphore_mem>>) {add = true}
            %mul3A_244 = arith.constant 64 : i32
            %mul3A_245 = arith.muli %add3A_202, %mul3A_244 : i32
            %add3A_246 = arith.constant 16 : i32
            %add3A_247 = arith.addi %mul3A_245, %add3A_246 : i32
            %add3A_248 = vector.broadcast %add3A_247 : i32 to vector<16xi32>
            %add3A_249 = arith.addi %add3A_248, %iota3A : vector<16xi32>
            %gather3A_250 = tpu.vector_load_idx %arg8[%add3A_249] : memref<6464xi32, #tpu.memory_space<vmem>>[vector<16xi32>], vector<16xi32>,
            %dma_start3A_251 = arith.constant 16 : i32
            %dma_start3A_252 = arith.constant 0 : i32
            %dma_start3A_253 = tpu.memref_slice %arg10[%dma_start3A_251, %dma_start3A_252] : memref<64x128xf32, #tpu.memory_space<vmem>> -> memref<16x128xf32, #tpu.memory_space<vmem>>
            %dma_start3A_254 = arith.constant 0 : i32
            %dma_start3A_255 = arith.constant 0 : i32
            %dma_start3A_256 = tpu.memref_slice %arg12[%dma_start3A_254, %dma_start3A_255] : memref<11360x128xf32, #tpu.memory_space<vmem_shared>> -> memref<11360x128xf32, #tpu.memory_space<vmem_shared>>
            tpu.enqueue_indirect_dma source(%dma_start3A_253 : memref<16x128xf32, #tpu.memory_space<vmem>>) target(%dma_start3A_256 : memref<11360x128xf32, #tpu.memory_space<vmem_shared>>) offsets(%gather3A_250 : vector<16xi32>) semaphore(%arg16 : memref<!tpu.dma_semaphore, #tpu.memory_space<semaphore_mem>>) {add = true}
            %mul3A_257 = arith.constant 64 : i32
            %mul3A_258 = arith.muli %add3A_202, %mul3A_257 : i32
            %add3A_259 = arith.constant 32 : i32
            %add3A_260 = arith.addi %mul3A_258, %add3A_259 : i32
            %add3A_261 = vector.broadcast %add3A_260 : i32 to vector<16xi32>
            %add3A_262 = arith.addi %add3A_261, %iota3A : vector<16xi32>
            %gather3A_263 = tpu.vector_load_idx %arg8[%add3A_262] : memref<6464xi32, #tpu.memory_space<vmem>>[vector<16xi32>], vector<16xi32>,
            %dma_start3A_264 = arith.constant 32 : i32
            %dma_start3A_265 = arith.constant 0 : i32
            %dma_start3A_266 = tpu.memref_slice %arg10[%dma_start3A_264, %dma_start3A_265] : memref<64x128xf32, #tpu.memory_space<vmem>> -> memref<16x128xf32, #tpu.memory_space<vmem>>
            %dma_start3A_267 = arith.constant 0 : i32
            %dma_start3A_268 = arith.constant 0 : i32
            %dma_start3A_269 = tpu.memref_slice %arg12[%dma_start3A_267, %dma_start3A_268] : memref<11360x128xf32, #tpu.memory_space<vmem_shared>> -> memref<11360x128xf32, #tpu.memory_space<vmem_shared>>
            tpu.enqueue_indirect_dma source(%dma_start3A_266 : memref<16x128xf32, #tpu.memory_space<vmem>>) target(%dma_start3A_269 : memref<11360x128xf32, #tpu.memory_space<vmem_shared>>) offsets(%gather3A_263 : vector<16xi32>) semaphore(%arg16 : memref<!tpu.dma_semaphore, #tpu.memory_space<semaphore_mem>>) {add = true}
            %mul3A_270 = arith.constant 64 : i32
            %mul3A_271 = arith.muli %add3A_202, %mul3A_270 : i32
            %add3A_272 = arith.constant 48 : i32
            %add3A_273 = arith.addi %mul3A_271, %add3A_272 : i32
            %add3A_274 = vector.broadcast %add3A_273 : i32 to vector<16xi32>
            %add3A_275 = arith.addi %add3A_274, %iota3A : vector<16xi32>
            %gather3A_276 = tpu.vector_load_idx %arg8[%add3A_275] : memref<6464xi32, #tpu.memory_space<vmem>>[vector<16xi32>], vector<16xi32>,
            %dma_start3A_277 = arith.constant 48 : i32
            %dma_start3A_278 = arith.constant 0 : i32
            %dma_start3A_279 = tpu.memref_slice %arg10[%dma_start3A_277, %dma_start3A_278] : memref<64x128xf32, #tpu.memory_space<vmem>> -> memref<16x128xf32, #tpu.memory_space<vmem>>
            %dma_start3A_280 = arith.constant 0 : i32
            %dma_start3A_281 = arith.constant 0 : i32
            %dma_start3A_282 = tpu.memref_slice %arg12[%dma_start3A_280, %dma_start3A_281] : memref<11360x128xf32, #tpu.memory_space<vmem_shared>> -> memref<11360x128xf32, #tpu.memory_space<vmem_shared>>
            tpu.enqueue_indirect_dma source(%dma_start3A_279 : memref<16x128xf32, #tpu.memory_space<vmem>>) target(%dma_start3A_282 : memref<11360x128xf32, #tpu.memory_space<vmem_shared>>) offsets(%gather3A_276 : vector<16xi32>) semaphore(%arg16 : memref<!tpu.dma_semaphore, #tpu.memory_space<semaphore_mem>>) {add = true}
          } else {
          }
          %mul3A_207 = arith.constant 2 : i32
          %mul3A_208 = arith.muli %mul3A_207, %while3A_190 : i32
          %add3A_209 = arith.constant 0 : i32
          %add3A_210 = arith.addi %mul3A_208, %add3A_209 : i32
          %add3A_211 = arith.constant 2 : i32
          %add3A_212 = arith.addi %add3A_210, %add3A_211 : i32
          %lt3A_213 = arith.cmpi slt, %add3A_212, %select_n3A : i32
          %convert_element_type3A_214 = arith.extui %lt3A_213 : i1 to i32
          %cond3A_215 = arith.constant 0 : i32
          %cond3A_216 = arith.cmpi ne, %convert_element_type3A_214, %cond3A_215 : i32
          scf.if %cond3A_216 {
            %dma_wait3A = arith.constant 0 : i32
            %dma_wait3A_228 = arith.constant 0 : i32
            %dma_wait3A_229 = tpu.memref_slice %arg9[%dma_wait3A, %dma_wait3A_228] : memref<64x128xf32, #tpu.memory_space<vmem>> -> memref<16x128xf32, #tpu.memory_space<vmem>>
            %dma_wait3A_230 = arith.constant 0 : i32
            %dma_wait3A_231 = arith.constant 0 : i32
            %dma_wait3A_232 = tpu.memref_slice %arg12[%dma_wait3A_230, %dma_wait3A_231] : memref<11360x128xf32, #tpu.memory_space<vmem_shared>> -> memref<16x128xf32, #tpu.memory_space<vmem_shared>>
            %dma_wait3A_233 = arith.constant 0 : i32
            %dma_wait3A_234 = arith.constant 0 : i32
            %dma_wait3A_235 = tpu.memref_slice %arg12[%dma_wait3A_233, %dma_wait3A_234] : memref<11360x128xf32, #tpu.memory_space<vmem_shared>> -> memref<16x128xf32, #tpu.memory_space<vmem_shared>>
            %dma_wait3A_236 = arith.constant 0 : i32
            %dma_wait3A_237 = arith.constant 0 : i32
            %dma_wait3A_238 = tpu.memref_slice %arg9[%dma_wait3A_236, %dma_wait3A_237] : memref<64x128xf32, #tpu.memory_space<vmem>> -> memref<16x128xf32, #tpu.memory_space<vmem>>
            tpu.wait_dma2 semaphore(%arg15 : memref<!tpu.dma_semaphore, #tpu.memory_space<semaphore_mem>>) src(%dma_wait3A_238 : memref<16x128xf32, #tpu.memory_space<vmem>>) dst(%dma_wait3A_235 : memref<16x128xf32, #tpu.memory_space<vmem_shared>>)
            %dma_wait3A_239 = arith.constant 16 : i32
            %dma_wait3A_240 = arith.constant 0 : i32
            %dma_wait3A_241 = tpu.memref_slice %arg9[%dma_wait3A_239, %dma_wait3A_240] : memref<64x128xf32, #tpu.memory_space<vmem>> -> memref<16x128xf32, #tpu.memory_space<vmem>>
            %dma_wait3A_242 = arith.constant 0 : i32
            %dma_wait3A_243 = arith.constant 0 : i32
            %dma_wait3A_244 = tpu.memref_slice %arg12[%dma_wait3A_242, %dma_wait3A_243] : memref<11360x128xf32, #tpu.memory_space<vmem_shared>> -> memref<16x128xf32, #tpu.memory_space<vmem_shared>>
            %dma_wait3A_245 = arith.constant 0 : i32
            %dma_wait3A_246 = arith.constant 0 : i32
            %dma_wait3A_247 = tpu.memref_slice %arg12[%dma_wait3A_245, %dma_wait3A_246] : memref<11360x128xf32, #tpu.memory_space<vmem_shared>> -> memref<16x128xf32, #tpu.memory_space<vmem_shared>>
            %dma_wait3A_248 = arith.constant 16 : i32
            %dma_wait3A_249 = arith.constant 0 : i32
            %dma_wait3A_250 = tpu.memref_slice %arg9[%dma_wait3A_248, %dma_wait3A_249] : memref<64x128xf32, #tpu.memory_space<vmem>> -> memref<16x128xf32, #tpu.memory_space<vmem>>
            tpu.wait_dma2 semaphore(%arg15 : memref<!tpu.dma_semaphore, #tpu.memory_space<semaphore_mem>>) src(%dma_wait3A_250 : memref<16x128xf32, #tpu.memory_space<vmem>>) dst(%dma_wait3A_247 : memref<16x128xf32, #tpu.memory_space<vmem_shared>>)
            %dma_wait3A_251 = arith.constant 32 : i32
            %dma_wait3A_252 = arith.constant 0 : i32
            %dma_wait3A_253 = tpu.memref_slice %arg9[%dma_wait3A_251, %dma_wait3A_252] : memref<64x128xf32, #tpu.memory_space<vmem>> -> memref<16x128xf32, #tpu.memory_space<vmem>>
            %dma_wait3A_254 = arith.constant 0 : i32
            %dma_wait3A_255 = arith.constant 0 : i32
            %dma_wait3A_256 = tpu.memref_slice %arg12[%dma_wait3A_254, %dma_wait3A_255] : memref<11360x128xf32, #tpu.memory_space<vmem_shared>> -> memref<16x128xf32, #tpu.memory_space<vmem_shared>>
            %dma_wait3A_257 = arith.constant 0 : i32
            %dma_wait3A_258 = arith.constant 0 : i32
            %dma_wait3A_259 = tpu.memref_slice %arg12[%dma_wait3A_257, %dma_wait3A_258] : memref<11360x128xf32, #tpu.memory_space<vmem_shared>> -> memref<16x128xf32, #tpu.memory_space<vmem_shared>>
            %dma_wait3A_260 = arith.constant 32 : i32
            %dma_wait3A_261 = arith.constant 0 : i32
            %dma_wait3A_262 = tpu.memref_slice %arg9[%dma_wait3A_260, %dma_wait3A_261] : memref<64x128xf32, #tpu.memory_space<vmem>> -> memref<16x128xf32, #tpu.memory_space<vmem>>
            tpu.wait_dma2 semaphore(%arg15 : memref<!tpu.dma_semaphore, #tpu.memory_space<semaphore_mem>>) src(%dma_wait3A_262 : memref<16x128xf32, #tpu.memory_space<vmem>>) dst(%dma_wait3A_259 : memref<16x128xf32, #tpu.memory_space<vmem_shared>>)
            %dma_wait3A_263 = arith.constant 48 : i32
            %dma_wait3A_264 = arith.constant 0 : i32
            %dma_wait3A_265 = tpu.memref_slice %arg9[%dma_wait3A_263, %dma_wait3A_264] : memref<64x128xf32, #tpu.memory_space<vmem>> -> memref<16x128xf32, #tpu.memory_space<vmem>>
            %dma_wait3A_266 = arith.constant 0 : i32
            %dma_wait3A_267 = arith.constant 0 : i32
            %dma_wait3A_268 = tpu.memref_slice %arg12[%dma_wait3A_266, %dma_wait3A_267] : memref<11360x128xf32, #tpu.memory_space<vmem_shared>> -> memref<16x128xf32, #tpu.memory_space<vmem_shared>>
            %dma_wait3A_269 = arith.constant 0 : i32
            %dma_wait3A_270 = arith.constant 0 : i32
            %dma_wait3A_271 = tpu.memref_slice %arg12[%dma_wait3A_269, %dma_wait3A_270] : memref<11360x128xf32, #tpu.memory_space<vmem_shared>> -> memref<16x128xf32, #tpu.memory_space<vmem_shared>>
            %dma_wait3A_272 = arith.constant 48 : i32
            %dma_wait3A_273 = arith.constant 0 : i32
            %dma_wait3A_274 = tpu.memref_slice %arg9[%dma_wait3A_272, %dma_wait3A_273] : memref<64x128xf32, #tpu.memory_space<vmem>> -> memref<16x128xf32, #tpu.memory_space<vmem>>
            tpu.wait_dma2 semaphore(%arg15 : memref<!tpu.dma_semaphore, #tpu.memory_space<semaphore_mem>>) src(%dma_wait3A_274 : memref<16x128xf32, #tpu.memory_space<vmem>>) dst(%dma_wait3A_271 : memref<16x128xf32, #tpu.memory_space<vmem_shared>>)
            %add3A_275 = arith.constant 2 : i32
            %add3A_276 = arith.addi %add3A_210, %add3A_275 : i32
            %mul3A_277 = arith.constant 64 : i32
            %mul3A_278 = arith.muli %add3A_276, %mul3A_277 : i32
            %dma_start3A = tpu.memref_slice %arg7[%mul3A_278] : memref<6464xi32, #tpu.memory_space<vmem>> -> memref<64xi32, #tpu.memory_space<vmem>>
            %dma_start3A_279 = arith.constant 0 : i32
            %dma_start3A_280 = arith.constant 0 : i32
            %dma_start3A_281 = tpu.memref_slice %arg3[%dma_start3A_279, %dma_start3A_280] : memref<400000x128xf32, #tpu.memory_space<hbm>> -> memref<400000x128xf32, #tpu.memory_space<hbm>>
            tpu.enqueue_indirect_dma source(%dma_start3A_281 : memref<400000x128xf32, #tpu.memory_space<hbm>>) target(%arg9 : memref<64x128xf32, #tpu.memory_space<vmem>>) offsets(%dma_start3A : memref<64xi32, #tpu.memory_space<vmem>>) semaphore(%arg13 : memref<!tpu.dma_semaphore, #tpu.memory_space<semaphore_mem>>)
          } else {
          }
          %mul3A_217 = arith.constant 2 : i32
          %mul3A_218 = arith.muli %mul3A_217, %while3A_190 : i32
          %add3A_219 = arith.constant 1 : i32
          %add3A_220 = arith.addi %mul3A_218, %add3A_219 : i32
          %add3A_221 = arith.constant 2 : i32
          %add3A_222 = arith.addi %add3A_220, %add3A_221 : i32
          %lt3A_223 = arith.cmpi slt, %add3A_222, %select_n3A : i32
          %convert_element_type3A_224 = arith.extui %lt3A_223 : i1 to i32
          %cond3A_225 = arith.constant 0 : i32
          %cond3A_226 = arith.cmpi ne, %convert_element_type3A_224, %cond3A_225 : i32
          scf.if %cond3A_226 {
            %dma_wait3A = arith.constant 0 : i32
            %dma_wait3A_228 = arith.constant 0 : i32
            %dma_wait3A_229 = tpu.memref_slice %arg10[%dma_wait3A, %dma_wait3A_228] : memref<64x128xf32, #tpu.memory_space<vmem>> -> memref<16x128xf32, #tpu.memory_space<vmem>>
            %dma_wait3A_230 = arith.constant 0 : i32
            %dma_wait3A_231 = arith.constant 0 : i32
            %dma_wait3A_232 = tpu.memref_slice %arg12[%dma_wait3A_230, %dma_wait3A_231] : memref<11360x128xf32, #tpu.memory_space<vmem_shared>> -> memref<16x128xf32, #tpu.memory_space<vmem_shared>>
            %dma_wait3A_233 = arith.constant 0 : i32
            %dma_wait3A_234 = arith.constant 0 : i32
            %dma_wait3A_235 = tpu.memref_slice %arg12[%dma_wait3A_233, %dma_wait3A_234] : memref<11360x128xf32, #tpu.memory_space<vmem_shared>> -> memref<16x128xf32, #tpu.memory_space<vmem_shared>>
            %dma_wait3A_236 = arith.constant 0 : i32
            %dma_wait3A_237 = arith.constant 0 : i32
            %dma_wait3A_238 = tpu.memref_slice %arg10[%dma_wait3A_236, %dma_wait3A_237] : memref<64x128xf32, #tpu.memory_space<vmem>> -> memref<16x128xf32, #tpu.memory_space<vmem>>
            tpu.wait_dma2 semaphore(%arg16 : memref<!tpu.dma_semaphore, #tpu.memory_space<semaphore_mem>>) src(%dma_wait3A_238 : memref<16x128xf32, #tpu.memory_space<vmem>>) dst(%dma_wait3A_235 : memref<16x128xf32, #tpu.memory_space<vmem_shared>>)
            %dma_wait3A_239 = arith.constant 16 : i32
            %dma_wait3A_240 = arith.constant 0 : i32
            %dma_wait3A_241 = tpu.memref_slice %arg10[%dma_wait3A_239, %dma_wait3A_240] : memref<64x128xf32, #tpu.memory_space<vmem>> -> memref<16x128xf32, #tpu.memory_space<vmem>>
            %dma_wait3A_242 = arith.constant 0 : i32
            %dma_wait3A_243 = arith.constant 0 : i32
            %dma_wait3A_244 = tpu.memref_slice %arg12[%dma_wait3A_242, %dma_wait3A_243] : memref<11360x128xf32, #tpu.memory_space<vmem_shared>> -> memref<16x128xf32, #tpu.memory_space<vmem_shared>>
            %dma_wait3A_245 = arith.constant 0 : i32
            %dma_wait3A_246 = arith.constant 0 : i32
            %dma_wait3A_247 = tpu.memref_slice %arg12[%dma_wait3A_245, %dma_wait3A_246] : memref<11360x128xf32, #tpu.memory_space<vmem_shared>> -> memref<16x128xf32, #tpu.memory_space<vmem_shared>>
            %dma_wait3A_248 = arith.constant 16 : i32
            %dma_wait3A_249 = arith.constant 0 : i32
            %dma_wait3A_250 = tpu.memref_slice %arg10[%dma_wait3A_248, %dma_wait3A_249] : memref<64x128xf32, #tpu.memory_space<vmem>> -> memref<16x128xf32, #tpu.memory_space<vmem>>
            tpu.wait_dma2 semaphore(%arg16 : memref<!tpu.dma_semaphore, #tpu.memory_space<semaphore_mem>>) src(%dma_wait3A_250 : memref<16x128xf32, #tpu.memory_space<vmem>>) dst(%dma_wait3A_247 : memref<16x128xf32, #tpu.memory_space<vmem_shared>>)
            %dma_wait3A_251 = arith.constant 32 : i32
            %dma_wait3A_252 = arith.constant 0 : i32
            %dma_wait3A_253 = tpu.memref_slice %arg10[%dma_wait3A_251, %dma_wait3A_252] : memref<64x128xf32, #tpu.memory_space<vmem>> -> memref<16x128xf32, #tpu.memory_space<vmem>>
            %dma_wait3A_254 = arith.constant 0 : i32
            %dma_wait3A_255 = arith.constant 0 : i32
            %dma_wait3A_256 = tpu.memref_slice %arg12[%dma_wait3A_254, %dma_wait3A_255] : memref<11360x128xf32, #tpu.memory_space<vmem_shared>> -> memref<16x128xf32, #tpu.memory_space<vmem_shared>>
            %dma_wait3A_257 = arith.constant 0 : i32
            %dma_wait3A_258 = arith.constant 0 : i32
            %dma_wait3A_259 = tpu.memref_slice %arg12[%dma_wait3A_257, %dma_wait3A_258] : memref<11360x128xf32, #tpu.memory_space<vmem_shared>> -> memref<16x128xf32, #tpu.memory_space<vmem_shared>>
            %dma_wait3A_260 = arith.constant 32 : i32
            %dma_wait3A_261 = arith.constant 0 : i32
            %dma_wait3A_262 = tpu.memref_slice %arg10[%dma_wait3A_260, %dma_wait3A_261] : memref<64x128xf32, #tpu.memory_space<vmem>> -> memref<16x128xf32, #tpu.memory_space<vmem>>
            tpu.wait_dma2 semaphore(%arg16 : memref<!tpu.dma_semaphore, #tpu.memory_space<semaphore_mem>>) src(%dma_wait3A_262 : memref<16x128xf32, #tpu.memory_space<vmem>>) dst(%dma_wait3A_259 : memref<16x128xf32, #tpu.memory_space<vmem_shared>>)
            %dma_wait3A_263 = arith.constant 48 : i32
            %dma_wait3A_264 = arith.constant 0 : i32
            %dma_wait3A_265 = tpu.memref_slice %arg10[%dma_wait3A_263, %dma_wait3A_264] : memref<64x128xf32, #tpu.memory_space<vmem>> -> memref<16x128xf32, #tpu.memory_space<vmem>>
            %dma_wait3A_266 = arith.constant 0 : i32
            %dma_wait3A_267 = arith.constant 0 : i32
            %dma_wait3A_268 = tpu.memref_slice %arg12[%dma_wait3A_266, %dma_wait3A_267] : memref<11360x128xf32, #tpu.memory_space<vmem_shared>> -> memref<16x128xf32, #tpu.memory_space<vmem_shared>>
            %dma_wait3A_269 = arith.constant 0 : i32
            %dma_wait3A_270 = arith.constant 0 : i32
            %dma_wait3A_271 = tpu.memref_slice %arg12[%dma_wait3A_269, %dma_wait3A_270] : memref<11360x128xf32, #tpu.memory_space<vmem_shared>> -> memref<16x128xf32, #tpu.memory_space<vmem_shared>>
            %dma_wait3A_272 = arith.constant 48 : i32
            %dma_wait3A_273 = arith.constant 0 : i32
            %dma_wait3A_274 = tpu.memref_slice %arg10[%dma_wait3A_272, %dma_wait3A_273] : memref<64x128xf32, #tpu.memory_space<vmem>> -> memref<16x128xf32, #tpu.memory_space<vmem>>
            tpu.wait_dma2 semaphore(%arg16 : memref<!tpu.dma_semaphore, #tpu.memory_space<semaphore_mem>>) src(%dma_wait3A_274 : memref<16x128xf32, #tpu.memory_space<vmem>>) dst(%dma_wait3A_271 : memref<16x128xf32, #tpu.memory_space<vmem_shared>>)
            %add3A_275 = arith.constant 2 : i32
            %add3A_276 = arith.addi %add3A_220, %add3A_275 : i32
            %mul3A_277 = arith.constant 64 : i32
            %mul3A_278 = arith.muli %add3A_276, %mul3A_277 : i32
            %dma_start3A = tpu.memref_slice %arg7[%mul3A_278] : memref<6464xi32, #tpu.memory_space<vmem>> -> memref<64xi32, #tpu.memory_space<vmem>>
            %dma_start3A_279 = arith.constant 0 : i32
            %dma_start3A_280 = arith.constant 0 : i32
            %dma_start3A_281 = tpu.memref_slice %arg3[%dma_start3A_279, %dma_start3A_280] : memref<400000x128xf32, #tpu.memory_space<hbm>> -> memref<400000x128xf32, #tpu.memory_space<hbm>>
            tpu.enqueue_indirect_dma source(%dma_start3A_281 : memref<400000x128xf32, #tpu.memory_space<hbm>>) target(%arg10 : memref<64x128xf32, #tpu.memory_space<vmem>>) offsets(%dma_start3A : memref<64xi32, #tpu.memory_space<vmem>>) semaphore(%arg14 : memref<!tpu.dma_semaphore, #tpu.memory_space<semaphore_mem>>)
          } else {
          }
          %while3A_227 = arith.constant 0 : i32
          scf.yield %while3A_227 : i32
        }
        %gt3A_179 = arith.constant 0 : i32
        %gt3A_180 = arith.cmpi sgt, %select_n3A, %gt3A_179 : i32
        %convert_element_type3A_181 = arith.extui %gt3A_180 : i1 to i32
        %cond3A_182 = arith.constant 0 : i32
        %cond3A_183 = arith.cmpi ne, %convert_element_type3A_181, %cond3A_182 : i32
        scf.if %cond3A_183 {
          %dma_wait3A = arith.constant 0 : i32
          %dma_wait3A_190 = arith.constant 0 : i32
          %dma_wait3A_191 = tpu.memref_slice %arg9[%dma_wait3A, %dma_wait3A_190] : memref<64x128xf32, #tpu.memory_space<vmem>> -> memref<16x128xf32, #tpu.memory_space<vmem>>
          %dma_wait3A_192 = arith.constant 0 : i32
          %dma_wait3A_193 = arith.constant 0 : i32
          %dma_wait3A_194 = tpu.memref_slice %arg12[%dma_wait3A_192, %dma_wait3A_193] : memref<11360x128xf32, #tpu.memory_space<vmem_shared>> -> memref<16x128xf32, #tpu.memory_space<vmem_shared>>
          %dma_wait3A_195 = arith.constant 0 : i32
          %dma_wait3A_196 = arith.constant 0 : i32
          %dma_wait3A_197 = tpu.memref_slice %arg12[%dma_wait3A_195, %dma_wait3A_196] : memref<11360x128xf32, #tpu.memory_space<vmem_shared>> -> memref<16x128xf32, #tpu.memory_space<vmem_shared>>
          %dma_wait3A_198 = arith.constant 0 : i32
          %dma_wait3A_199 = arith.constant 0 : i32
          %dma_wait3A_200 = tpu.memref_slice %arg9[%dma_wait3A_198, %dma_wait3A_199] : memref<64x128xf32, #tpu.memory_space<vmem>> -> memref<16x128xf32, #tpu.memory_space<vmem>>
          tpu.wait_dma2 semaphore(%arg15 : memref<!tpu.dma_semaphore, #tpu.memory_space<semaphore_mem>>) src(%dma_wait3A_200 : memref<16x128xf32, #tpu.memory_space<vmem>>) dst(%dma_wait3A_197 : memref<16x128xf32, #tpu.memory_space<vmem_shared>>)
          %dma_wait3A_201 = arith.constant 16 : i32
          %dma_wait3A_202 = arith.constant 0 : i32
          %dma_wait3A_203 = tpu.memref_slice %arg9[%dma_wait3A_201, %dma_wait3A_202] : memref<64x128xf32, #tpu.memory_space<vmem>> -> memref<16x128xf32, #tpu.memory_space<vmem>>
          %dma_wait3A_204 = arith.constant 0 : i32
          %dma_wait3A_205 = arith.constant 0 : i32
          %dma_wait3A_206 = tpu.memref_slice %arg12[%dma_wait3A_204, %dma_wait3A_205] : memref<11360x128xf32, #tpu.memory_space<vmem_shared>> -> memref<16x128xf32, #tpu.memory_space<vmem_shared>>
          %dma_wait3A_207 = arith.constant 0 : i32
          %dma_wait3A_208 = arith.constant 0 : i32
          %dma_wait3A_209 = tpu.memref_slice %arg12[%dma_wait3A_207, %dma_wait3A_208] : memref<11360x128xf32, #tpu.memory_space<vmem_shared>> -> memref<16x128xf32, #tpu.memory_space<vmem_shared>>
          %dma_wait3A_210 = arith.constant 16 : i32
          %dma_wait3A_211 = arith.constant 0 : i32
          %dma_wait3A_212 = tpu.memref_slice %arg9[%dma_wait3A_210, %dma_wait3A_211] : memref<64x128xf32, #tpu.memory_space<vmem>> -> memref<16x128xf32, #tpu.memory_space<vmem>>
          tpu.wait_dma2 semaphore(%arg15 : memref<!tpu.dma_semaphore, #tpu.memory_space<semaphore_mem>>) src(%dma_wait3A_212 : memref<16x128xf32, #tpu.memory_space<vmem>>) dst(%dma_wait3A_209 : memref<16x128xf32, #tpu.memory_space<vmem_shared>>)
          %dma_wait3A_213 = arith.constant 32 : i32
          %dma_wait3A_214 = arith.constant 0 : i32
          %dma_wait3A_215 = tpu.memref_slice %arg9[%dma_wait3A_213, %dma_wait3A_214] : memref<64x128xf32, #tpu.memory_space<vmem>> -> memref<16x128xf32, #tpu.memory_space<vmem>>
          %dma_wait3A_216 = arith.constant 0 : i32
          %dma_wait3A_217 = arith.constant 0 : i32
          %dma_wait3A_218 = tpu.memref_slice %arg12[%dma_wait3A_216, %dma_wait3A_217] : memref<11360x128xf32, #tpu.memory_space<vmem_shared>> -> memref<16x128xf32, #tpu.memory_space<vmem_shared>>
          %dma_wait3A_219 = arith.constant 0 : i32
          %dma_wait3A_220 = arith.constant 0 : i32
          %dma_wait3A_221 = tpu.memref_slice %arg12[%dma_wait3A_219, %dma_wait3A_220] : memref<11360x128xf32, #tpu.memory_space<vmem_shared>> -> memref<16x128xf32, #tpu.memory_space<vmem_shared>>
          %dma_wait3A_222 = arith.constant 32 : i32
          %dma_wait3A_223 = arith.constant 0 : i32
          %dma_wait3A_224 = tpu.memref_slice %arg9[%dma_wait3A_222, %dma_wait3A_223] : memref<64x128xf32, #tpu.memory_space<vmem>> -> memref<16x128xf32, #tpu.memory_space<vmem>>
          tpu.wait_dma2 semaphore(%arg15 : memref<!tpu.dma_semaphore, #tpu.memory_space<semaphore_mem>>) src(%dma_wait3A_224 : memref<16x128xf32, #tpu.memory_space<vmem>>) dst(%dma_wait3A_221 : memref<16x128xf32, #tpu.memory_space<vmem_shared>>)
          %dma_wait3A_225 = arith.constant 48 : i32
          %dma_wait3A_226 = arith.constant 0 : i32
          %dma_wait3A_227 = tpu.memref_slice %arg9[%dma_wait3A_225, %dma_wait3A_226] : memref<64x128xf32, #tpu.memory_space<vmem>> -> memref<16x128xf32, #tpu.memory_space<vmem>>
          %dma_wait3A_228 = arith.constant 0 : i32
          %dma_wait3A_229 = arith.constant 0 : i32
          %dma_wait3A_230 = tpu.memref_slice %arg12[%dma_wait3A_228, %dma_wait3A_229] : memref<11360x128xf32, #tpu.memory_space<vmem_shared>> -> memref<16x128xf32, #tpu.memory_space<vmem_shared>>
          %dma_wait3A_231 = arith.constant 0 : i32
          %dma_wait3A_232 = arith.constant 0 : i32
          %dma_wait3A_233 = tpu.memref_slice %arg12[%dma_wait3A_231, %dma_wait3A_232] : memref<11360x128xf32, #tpu.memory_space<vmem_shared>> -> memref<16x128xf32, #tpu.memory_space<vmem_shared>>
          %dma_wait3A_234 = arith.constant 48 : i32
          %dma_wait3A_235 = arith.constant 0 : i32
          %dma_wait3A_236 = tpu.memref_slice %arg9[%dma_wait3A_234, %dma_wait3A_235] : memref<64x128xf32, #tpu.memory_space<vmem>> -> memref<16x128xf32, #tpu.memory_space<vmem>>
          tpu.wait_dma2 semaphore(%arg15 : memref<!tpu.dma_semaphore, #tpu.memory_space<semaphore_mem>>) src(%dma_wait3A_236 : memref<16x128xf32, #tpu.memory_space<vmem>>) dst(%dma_wait3A_233 : memref<16x128xf32, #tpu.memory_space<vmem_shared>>)
        } else {
        }
        %gt3A_184 = arith.constant 1 : i32
        %gt3A_185 = arith.cmpi sgt, %select_n3A, %gt3A_184 : i32
        %convert_element_type3A_186 = arith.extui %gt3A_185 : i1 to i32
        %cond3A_187 = arith.constant 0 : i32
        %cond3A_188 = arith.cmpi ne, %convert_element_type3A_186, %cond3A_187 : i32
        scf.if %cond3A_188 {
          %dma_wait3A = arith.constant 0 : i32
          %dma_wait3A_190 = arith.constant 0 : i32
          %dma_wait3A_191 = tpu.memref_slice %arg10[%dma_wait3A, %dma_wait3A_190] : memref<64x128xf32, #tpu.memory_space<vmem>> -> memref<16x128xf32, #tpu.memory_space<vmem>>
          %dma_wait3A_192 = arith.constant 0 : i32
          %dma_wait3A_193 = arith.constant 0 : i32
          %dma_wait3A_194 = tpu.memref_slice %arg12[%dma_wait3A_192, %dma_wait3A_193] : memref<11360x128xf32, #tpu.memory_space<vmem_shared>> -> memref<16x128xf32, #tpu.memory_space<vmem_shared>>
          %dma_wait3A_195 = arith.constant 0 : i32
          %dma_wait3A_196 = arith.constant 0 : i32
          %dma_wait3A_197 = tpu.memref_slice %arg12[%dma_wait3A_195, %dma_wait3A_196] : memref<11360x128xf32, #tpu.memory_space<vmem_shared>> -> memref<16x128xf32, #tpu.memory_space<vmem_shared>>
          %dma_wait3A_198 = arith.constant 0 : i32
          %dma_wait3A_199 = arith.constant 0 : i32
          %dma_wait3A_200 = tpu.memref_slice %arg10[%dma_wait3A_198, %dma_wait3A_199] : memref<64x128xf32, #tpu.memory_space<vmem>> -> memref<16x128xf32, #tpu.memory_space<vmem>>
          tpu.wait_dma2 semaphore(%arg16 : memref<!tpu.dma_semaphore, #tpu.memory_space<semaphore_mem>>) src(%dma_wait3A_200 : memref<16x128xf32, #tpu.memory_space<vmem>>) dst(%dma_wait3A_197 : memref<16x128xf32, #tpu.memory_space<vmem_shared>>)
          %dma_wait3A_201 = arith.constant 16 : i32
          %dma_wait3A_202 = arith.constant 0 : i32
          %dma_wait3A_203 = tpu.memref_slice %arg10[%dma_wait3A_201, %dma_wait3A_202] : memref<64x128xf32, #tpu.memory_space<vmem>> -> memref<16x128xf32, #tpu.memory_space<vmem>>
          %dma_wait3A_204 = arith.constant 0 : i32
          %dma_wait3A_205 = arith.constant 0 : i32
          %dma_wait3A_206 = tpu.memref_slice %arg12[%dma_wait3A_204, %dma_wait3A_205] : memref<11360x128xf32, #tpu.memory_space<vmem_shared>> -> memref<16x128xf32, #tpu.memory_space<vmem_shared>>
          %dma_wait3A_207 = arith.constant 0 : i32
          %dma_wait3A_208 = arith.constant 0 : i32
          %dma_wait3A_209 = tpu.memref_slice %arg12[%dma_wait3A_207, %dma_wait3A_208] : memref<11360x128xf32, #tpu.memory_space<vmem_shared>> -> memref<16x128xf32, #tpu.memory_space<vmem_shared>>
          %dma_wait3A_210 = arith.constant 16 : i32
          %dma_wait3A_211 = arith.constant 0 : i32
          %dma_wait3A_212 = tpu.memref_slice %arg10[%dma_wait3A_210, %dma_wait3A_211] : memref<64x128xf32, #tpu.memory_space<vmem>> -> memref<16x128xf32, #tpu.memory_space<vmem>>
          tpu.wait_dma2 semaphore(%arg16 : memref<!tpu.dma_semaphore, #tpu.memory_space<semaphore_mem>>) src(%dma_wait3A_212 : memref<16x128xf32, #tpu.memory_space<vmem>>) dst(%dma_wait3A_209 : memref<16x128xf32, #tpu.memory_space<vmem_shared>>)
          %dma_wait3A_213 = arith.constant 32 : i32
          %dma_wait3A_214 = arith.constant 0 : i32
          %dma_wait3A_215 = tpu.memref_slice %arg10[%dma_wait3A_213, %dma_wait3A_214] : memref<64x128xf32, #tpu.memory_space<vmem>> -> memref<16x128xf32, #tpu.memory_space<vmem>>
          %dma_wait3A_216 = arith.constant 0 : i32
          %dma_wait3A_217 = arith.constant 0 : i32
          %dma_wait3A_218 = tpu.memref_slice %arg12[%dma_wait3A_216, %dma_wait3A_217] : memref<11360x128xf32, #tpu.memory_space<vmem_shared>> -> memref<16x128xf32, #tpu.memory_space<vmem_shared>>
          %dma_wait3A_219 = arith.constant 0 : i32
          %dma_wait3A_220 = arith.constant 0 : i32
          %dma_wait3A_221 = tpu.memref_slice %arg12[%dma_wait3A_219, %dma_wait3A_220] : memref<11360x128xf32, #tpu.memory_space<vmem_shared>> -> memref<16x128xf32, #tpu.memory_space<vmem_shared>>
          %dma_wait3A_222 = arith.constant 32 : i32
          %dma_wait3A_223 = arith.constant 0 : i32
          %dma_wait3A_224 = tpu.memref_slice %arg10[%dma_wait3A_222, %dma_wait3A_223] : memref<64x128xf32, #tpu.memory_space<vmem>> -> memref<16x128xf32, #tpu.memory_space<vmem>>
          tpu.wait_dma2 semaphore(%arg16 : memref<!tpu.dma_semaphore, #tpu.memory_space<semaphore_mem>>) src(%dma_wait3A_224 : memref<16x128xf32, #tpu.memory_space<vmem>>) dst(%dma_wait3A_221 : memref<16x128xf32, #tpu.memory_space<vmem_shared>>)
          %dma_wait3A_225 = arith.constant 48 : i32
          %dma_wait3A_226 = arith.constant 0 : i32
          %dma_wait3A_227 = tpu.memref_slice %arg10[%dma_wait3A_225, %dma_wait3A_226] : memref<64x128xf32, #tpu.memory_space<vmem>> -> memref<16x128xf32, #tpu.memory_space<vmem>>
          %dma_wait3A_228 = arith.constant 0 : i32
          %dma_wait3A_229 = arith.constant 0 : i32
          %dma_wait3A_230 = tpu.memref_slice %arg12[%dma_wait3A_228, %dma_wait3A_229] : memref<11360x128xf32, #tpu.memory_space<vmem_shared>> -> memref<16x128xf32, #tpu.memory_space<vmem_shared>>
          %dma_wait3A_231 = arith.constant 0 : i32
          %dma_wait3A_232 = arith.constant 0 : i32
          %dma_wait3A_233 = tpu.memref_slice %arg12[%dma_wait3A_231, %dma_wait3A_232] : memref<11360x128xf32, #tpu.memory_space<vmem_shared>> -> memref<16x128xf32, #tpu.memory_space<vmem_shared>>
          %dma_wait3A_234 = arith.constant 48 : i32
          %dma_wait3A_235 = arith.constant 0 : i32
          %dma_wait3A_236 = tpu.memref_slice %arg10[%dma_wait3A_234, %dma_wait3A_235] : memref<64x128xf32, #tpu.memory_space<vmem>> -> memref<16x128xf32, #tpu.memory_space<vmem>>
          tpu.wait_dma2 semaphore(%arg16 : memref<!tpu.dma_semaphore, #tpu.memory_space<semaphore_mem>>) src(%dma_wait3A_236 : memref<16x128xf32, #tpu.memory_space<vmem>>) dst(%dma_wait3A_233 : memref<16x128xf32, #tpu.memory_space<vmem_shared>>)
        } else {
        }
        %scan3A_189 = arith.constant 0 : i32
        scf.yield %scan3A_189 : i32
      }
      %scan3A_28 = arith.constant 4 : i32
      %barrier3A_29 = arith.constant 0 : index
      tpu.barrier barrier_id(%barrier3A_29)
      %scan3A_30 = arith.constant 0 : i32
      %scan3A_31 = arith.constant 0 : i32
      %scan3A_32 = arith.constant 30 : i32
      %scan3A_33 = arith.addi %scan3A_31, %scan3A_32 : i32
      %scan3A_34 = arith.constant 1 : i32
      %scan3A_35 = scf.for %scan3A_39 = %scan3A_31 to %scan3A_33 step %scan3A_34 iter_args(%scan3A_40 = %scan3A_30) -> (i32)  : i32 {
        %mul3A_41 = arith.constant 16 : i32
        %mul3A_42 = arith.muli %mul3A_41, %scan3A_39 : i32
        %add3A_43 = arith.addi %arg1, %mul3A_42 : i32
        %lt3A = arith.constant 472 : i32
        %lt3A_44 = arith.cmpi slt, %add3A_43, %lt3A : i32
        %mul3A_45 = arith.constant 24 : i32
        %mul3A_46 = arith.muli %add3A_43, %mul3A_45 : i32
        %add3A_47 = arith.addi %mul3A_12, %mul3A_46 : i32
        %lt3A_48 = arith.constant 100000 : i32
        %lt3A_49 = arith.cmpi slt, %add3A_47, %lt3A_48 : i32
        %and3A = arith.andi %lt3A_44, %lt3A_49 : i1
        %convert_element_type3A = arith.extui %and3A : i1 to i32
        %cond3A = arith.constant 0 : i32
        %cond3A_50 = arith.cmpi ne, %convert_element_type3A, %cond3A : i32
        scf.if %cond3A_50 {
          %mul3A_52 = arith.constant 24 : i32
          %mul3A_53 = arith.muli %add3A_43, %mul3A_52 : i32
          %mul3A_54 = arith.constant 24 : i32
          %mul3A_55 = arith.muli %add3A_43, %mul3A_54 : i32
          %add3A_56 = arith.addi %mul3A_12, %mul3A_55 : i32
          "tpu.region"() ({
            %run_scoped3A = tpu.sem_alloc : memref<!tpu.dma_semaphore, #tpu.memory_space<semaphore_mem>>
            %dma_start3A = arith.constant 0 : i32
            %dma_start3A_57 = tpu.memref_slice %arg5[%add3A_56, %dma_start3A] : memref<113280x128xf32, #tpu.memory_space<hbm>> -> memref<24x128xf32, #tpu.memory_space<hbm>>
            %dma_start3A_58 = arith.constant 0 : i32
            %dma_start3A_59 = tpu.memref_slice %arg12[%mul3A_53, %dma_start3A_58] : memref<11360x128xf32, #tpu.memory_space<vmem_shared>> -> memref<24x128xf32, #tpu.memory_space<vmem_shared>>
            tpu.enqueue_dma source(%dma_start3A_59 : memref<24x128xf32, #tpu.memory_space<vmem_shared>>) target(%dma_start3A_57 : memref<24x128xf32, #tpu.memory_space<hbm>>) target_semaphore(%run_scoped3A : memref<!tpu.dma_semaphore, #tpu.memory_space<semaphore_mem>>)
            %dma_wait3A = arith.constant 0 : i32
            %dma_wait3A_60 = tpu.memref_slice %arg5[%add3A_56, %dma_wait3A] : memref<113280x128xf32, #tpu.memory_space<hbm>> -> memref<24x128xf32, #tpu.memory_space<hbm>>
            %dma_wait3A_61 = arith.constant 0 : i32
            %dma_wait3A_62 = tpu.memref_slice %arg12[%mul3A_53, %dma_wait3A_61] : memref<11360x128xf32, #tpu.memory_space<vmem_shared>> -> memref<24x128xf32, #tpu.memory_space<vmem_shared>>
            tpu.wait_dma2 semaphore(%run_scoped3A : memref<!tpu.dma_semaphore, #tpu.memory_space<semaphore_mem>>) src(%dma_wait3A_62 : memref<24x128xf32, #tpu.memory_space<vmem_shared>>) dst(%dma_wait3A_60 : memref<24x128xf32, #tpu.memory_space<hbm>>)
            tpu.yield
          }) : () -> ()
        } else {
        }
        %scan3A_51 = arith.constant 0 : i32
        scf.yield %scan3A_51 : i32
      }
      %scan3A_36 = arith.constant 30 : i32
      %barrier3A_37 = arith.constant 0 : index
      tpu.barrier barrier_id(%barrier3A_37)
      %scan3A_38 = arith.constant 0 : i32
      scf.yield %scan3A_38 : i32
    }
    %scan3A_6 = arith.constant 5 : i32
    return
  }
}

</mosaic_0001>

<sc_bundles>
// kernel: _sc_scatter.3.cloned.1.call-start
scs
__scs_entry_jumppad:
0x0: {  	(pc) =	sbr.rel $0x88, $3  }
0x1: {  	(tag) =	ssettag $0x0;
	lr =	simm.s32 $0x1  }
0x2: {  	[smem:$0x3F9E] =	sst lr;
	_ =	strace $0xD0000000  }
0x3: {  	_ = 	snop  }
0x4: {  	_ = 	snop  }
0x5: {  	_ = 	snop  }
0x6: {  	_ = 	snop  }
0x7: {  	_ = 	snop  }
__scs_overlays_trampoline_lowered:
0x8: {  	[smem:$0x3FAD] =	sst s0  }
0x9: {  	[smem:$0x3FAE] =	sst s1  }
0xa: {  	[smem:$0x3FAF] =	sst s2  }
0xb: {  	[smem:$0x3FB0] =	sst s3  }
0xc: {  	[smem:$0x3FB1] =	sst s4  }
0xd: {  	[smem:$0x3FB2] =	sst s5  }
0xe: {  	[smem:$0x3FB3] =	sst s6  }
0xf: {  	[smem:$0x3FB4] =	sst s7  }
0x10: {  	[smem:$0x3FB5] =	sst s8  }
0x11: {  	[smem:$0x3FB6] =	sst s9;
	s0 =	simm.s32 @!p0 $0x0  }
0x12: {  	s1 =	sld [smem:$0x3F9C];
	s0 =	simm.s32 @p0 $0x1  }
0x13: {  	[smem:$0x3FB7] =	sst s0;
	s0 =	simm.s32 @!p1 $0x0  }
0x14: {  	s2 =	sld [smem:$0x3F9B];
	s0 =	simm.s32 @p1 $0x1  }
0x15: {  	[smem:$0x3FB8] =	sst s0;
	s0 =	simm.s32 @!p2 $0x0  }
0x16: {  	s3 =	sld [smem:$0x3FDB];
	s0 =	simm.s32 @p2 $0x1  }
0x17: {  	s4 =	simm.s32 $0x1BF5;
	[smem:$0x3FBA] =	sst s0  }
0x18: {  	s0 =	sld [smem:$0x3F9D];
	_ =	swait.ge [sflag:s4], $0x0  }
0x19: {  	s7 =	sld [smem:$0x3F9E]  }
0x1a: {  	s8 =	sadd.s32 $0xFFFFE003, lr  }
0x1b: {  	s9 =	sadd.s32 $0xFFFFFEF7, lr;
	s5 =	simm.s32 $0xFFFFFFFF;
	p2 =	slt.u32 s8, $0xFFFFF086  }
0x1c: {  	p1 =	slt.u32 s9, $0xF7A;
	s5 =	simm.s32 @!p2 $0x0  }
0x1d: {  	s5 =	simm.s32 @p1 $0x1;
	p0 =	seq.s32 s7, s2  }
0x1e: {  	s7 =	smul.u32 @!p0 $0xF7A, s2;
	p2 =	seq.s32 @!p0 s5, $0x0  }
0x1f: {  	s9 =	smul.u32 $0xF7A, s1;
	s8 =	simm.s32 @!p0 $0x1BF5;
	p2 =	por !p2, p0  }
0x20: {  	[sflag:s8] =	ssyncset.s32 @!p0 $0xFFFFF086;
	s6 =	sadd.s32 @!p0 s3, s7;
	s7 =	simm.s32 @!p0 $0x108  }
0x21: {  	s3 =	sadd.s32 s3, s9;
	s6 =	sadd.s32 @!p0 $0x88, s6;
	s7 =	simm.s32 @p2 $0x1082  }
0x22: {  	[simem:s7], [sflag:s8] =	dma.local @!p0 [hbm:s6], $0xF7A  }
0x23: {  	s9 =	sor.u32 $0xD0000000, s2;
	s6 =	simm.s32 $0x108;
	_ =	swait.ge @!p0 [sflag:s8], $0x0  }
0x24: {  	s3 =	sadd.s32 $0x88, s3;
	s6 =	simm.s32 @!p1 $0x1082;
	[sflag:s4] =	ssyncset.s32 $0xFFFFF086  }
0x25: {  	[simem:s6], [sflag:s4] =	dma.local [hbm:s3], $0xF7A  }
0x26: {  	[smem:$0x3F9E] =	sst s1;
	(tag) =	ssettag s2;
	_ =	strace s9  }
0x27: {  	s1 =	sld [smem:$0x3FAE]  }
0x28: {  	s2 =	sld [smem:$0x3FAF]  }
0x29: {  	s4 =	sld [smem:$0x3FB1]  }
0x2a: {  	p0 =	seq.s32 s5, $0x0;
	s5 =	sld [smem:$0x3FB2]  }
0x2b: {  	s6 =	sld [smem:$0x3FB3]  }
0x2c: {  	s7 =	sld [smem:$0x3FB4]  }
0x2d: {  	s3 =	simm.s32 $0x108;
	s8 =	sld [smem:$0x3FB5]  }
0x2e: {  	s3 =	simm.s32 @!p0 $0x1082;
	s9 =	sld [smem:$0x3FB6]  }
0x2f: {  	lr =	sadd.s32 s0, s3;
	s0 =	sld [smem:$0x3FAD]  }
0x30: {  	s3 =	sld [smem:$0x3FB0]  }
0x31: {  	[smem:$0x3FB9] =	sst s10  }
0x32: {  	s10 =	sld [smem:$0x3FB7];
	_ =	sdelay $0x3  }
0x33: {  	p0 =	seq.s32 s10, $0x1;
	s10 =	sld [smem:$0x3FB9];
	_ =	sdelay $0x3  }
0x34: {  	[smem:$0x3FB9] =	sst s10  }
0x35: {  	s10 =	sld [smem:$0x3FB8];
	_ =	sdelay $0x3  }
0x36: {  	p1 =	seq.s32 s10, $0x1;
	s10 =	sld [smem:$0x3FB9];
	_ =	sdelay $0x3  }
0x37: {  	[smem:$0x3FB9] =	sst s10  }
0x38: {  	s10 =	sld [smem:$0x3FBA]  }
0x39: {  	_ = 	snop;
	(pc) =	sbr.ind lr, $3  }
0x3a: {  	_ = 	snop  }
0x3b: {  	_ = 	snop  }
0x3c: {  	p2 =	seq.s32 s10, $0x1;
	s10 =	sld [smem:$0x3FB9]  }
0x3d: {  	_ =	shalt  }
0x3e: {  	_ =	shalt  }
0x3f: {  	_ =	shalt  }
0x40: {  	_ =	shalt  }
0x41: {  	_ =	shalt  }
0x42: {  	_ =	shalt  }
0x43: {  	_ =	shalt  }
0x44: {  	_ =	shalt  }
0x45: {  	_ =	shalt  }
0x46: {  	_ =	shalt  }
0x47: {  	_ =	shalt  }
0x48: {  	_ =	shalt  }
0x49: {  	_ =	shalt  }
0x4a: {  	_ =	shalt  }
0x4b: {  	_ =	shalt  }
0x4c: {  	_ =	shalt  }
0x4d: {  	_ =	shalt  }
0x4e: {  	_ =	shalt  }
0x4f: {  	_ =	shalt  }
0x50: {  	_ =	shalt  }
0x51: {  	_ =	shalt  }
0x52: {  	_ =	shalt  }
0x53: {  	_ =	shalt  }
0x54: {  	_ =	shalt  }
0x55: {  	_ =	shalt  }
0x56: {  	_ =	shalt  }
0x57: {  	_ =	shalt  }
0x58: {  	_ =	shalt  }
0x59: {  	_ =	shalt  }
0x5a: {  	_ =	shalt  }
0x5b: {  	_ =	shalt  }
0x5c: {  	_ =	shalt  }
0x5d: {  	_ =	shalt  }
0x5e: {  	_ =	shalt  }
0x5f: {  	_ =	shalt  }
0x60: {  	_ =	shalt  }
0x61: {  	_ =	shalt  }
0x62: {  	_ =	shalt  }
0x63: {  	_ =	shalt  }
0x64: {  	_ =	shalt  }
0x65: {  	_ =	shalt  }
0x66: {  	_ =	shalt  }
0x67: {  	_ =	shalt  }
0x68: {  	_ =	shalt  }
0x69: {  	_ =	shalt  }
0x6a: {  	_ =	shalt  }
0x6b: {  	_ =	shalt  }
0x6c: {  	_ =	shalt  }
0x6d: {  	_ =	shalt  }
0x6e: {  	_ =	shalt  }
0x6f: {  	_ =	shalt  }
0x70: {  	_ =	shalt  }
0x71: {  	_ =	shalt  }
0x72: {  	_ =	shalt  }
0x73: {  	_ =	shalt  }
0x74: {  	_ =	shalt  }
0x75: {  	_ =	shalt  }
0x76: {  	_ =	shalt  }
0x77: {  	_ =	shalt  }
0x78: {  	_ =	shalt  }
0x79: {  	_ =	shalt  }
0x7a: {  	_ =	shalt  }
0x7b: {  	_ =	shalt  }
0x7c: {  	_ =	shalt  }
0x7d: {  	_ =	shalt  }
0x7e: {  	_ =	shalt  }
0x7f: {  	_ =	shalt  }
0x80: {  	_ =	shalt  }
0x81: {  	_ =	shalt  }
0x82: {  	_ =	shalt  }
0x83: {  	_ =	shalt  }
0x84: {  	_ =	shalt  }
0x85: {  	_ =	shalt  }
0x86: {  	_ =	shalt  }
0x87: {  	_ =	shalt  }
.Lfunc_end0:
.L_simem_size_0:
called_computation_lowered:
.L_overlay_start_0:
0x88: {  	s2 =	sld [smem:$0x3FD9]  }
0x89: {  	s3 =	sld [smem:$0x3FFE];
	_ =	sdelay $0x1  }
0x8a: {  	s1 =	srdreg.scid  }
0x8b: {  	s0 =	sand.u32 $0x1, s1  }
0x8c: {  	s18 =	sshll.u32 s0, $0xA;
	s2 =	sadd.s32 s3, s2  }
0x8d: {  	s2 =	sadd.s32 s2, s18  }
0x8e: {  	[smem:$0x3FC5] =	sst s2  }
0x8f: {  	_ = 	snop  }
0x90: {  	s2 =	sld [smem:$0x3FC9]  }
0x91: {  	s19 =	sld [smem:$0x3FC8]  }
0x92: {  	s4 =	sld [smem:$0x3FC7]  }
0x93: {  	s5 =	sld [smem:$0x3FD0];
	(tm) =	ssettm $0x1  }
0x94: {  	s6 =	sld [smem:$0x3FFB];
	_ =	sdelay $0x3  }
0x95: {  	_ =	strace s6  }
0x96: {  	s6 =	sld [smem:$0x3FFC];
	_ =	sdelay $0x3  }
0x97: {  	_ =	strace s6  }
0x98: {  	s6 =	sld [smem:$0x3FFD];
	_ =	sdelay $0x3  }
0x99: {  	_ =	strace s6  }
0x9a: {  	_ =	strace $0x8FFFFFFF  }
0x9b: {  	s20 =	sld [smem:$0x3FDB];
	_ =	sdelay $0x1  }
0x9c: {  	s7 =	simm.s32 $_scs_section_size  }
0x9d: {  	s8 =	simm.s32 $_size__tile_overlayer_lowered;
	s9 =	simm.s32 $_tile_overlayer_lowered  }
0x9e: {  	s23 =	simm.s32 $0x1BFF;
	s22 =	sshll.u32 s9, $0x1;
	s6 =	sadd.s32 s7, s20  }
0x9f: {  	s10 =	simm.s32 $0x0;
	s21 =	sshll.u32 s8, $0x1;
	s8 =	sadd.s32 s22, s6  }
0xa0: {  	[timem:s10], [sflag:s23] =	dma.local [hbm:s8], s21  }
0xa1: {  	_ =	swait.ge [sflag:s23], s21  }
0xa2: {  	s7 =	ssub.s32 $0x0, s21;
	[sflag:s23] =	ssyncset.done $0x0  }
0xa3: {  	[sflag:s23] =	ssyncadd.s32 s7;
	_ =	sdelay $0x1  }
0xa4: {  	s24 =	simm.s32 $0x1B8B  }
0xa5: {  	_ =	swait.ge [sflag:s24], $0x1  }
0xa6: {  	[sflag:s24] =	ssyncset.done $0x0  }
0xa7: {  	s25 =	simm.s32 $0x1B8E;
	[sflag:s24] =	ssyncadd.s32 $0xFFFFFFFF  }
0xa8: {  	s26 =	simm.s32 $execute0_lowered;
	[smem:$0x3FD2] =	sst s25  }
0xa9: {  	s7 =	sshll.u32 s26, $0x1;
	_ =	strace $0x80000046;
	[dreg:$0x1] =	wrdreg $0xFFFFFFFF  }
0xaa: {  	s28 =	simm.s32 $_size_execute0_lowered;
	s6 =	sadd.s32 s6, s7;
	[dreg:$0x0] =	wrdreg $0x0  }
0xab: {  	s7 =	sshll.u32 s28, $0x1;
	[dreg:$0x2] =	wrdreg s6  }
0xac: {  	[dreg:$0x3] =	wrdreg s7  }
0xad: {  	[dreg:$0x4] =	wrdreg $0xC0  }
0xae: {  	_ =	task [dreg:s10], $0x5FFFF  }
0xaf: {  	[dreg:$0x1] =	wrdreg $0xFFFFFFFF  }
0xb0: {  	[dreg:$0x0] =	wrdreg $0x60  }
0xb1: {  	[dreg:$0x2] =	wrdreg s2  }
0xb2: {  	[dreg:$0x3] =	wrdreg s19  }
0xb3: {  	[dreg:$0x4] =	wrdreg s4  }
0xb4: {  	[dreg:$0x5] =	wrdreg s5  }
0xb5: {  	[dreg:$0x6] =	wrdreg $0x9C000  }
0xb6: {  	[dreg:$0x7] =	wrdreg $0x9  }
0xb7: {  	_ =	task.clear_ibuf [dreg:s10], $0x8FFFF;
	_ =	strace $0x90000046  }
0xb8: {  	s29 =	simm.s32 $0x9;
	_ =	strace $0x80000048  }
0xb9: {  	_ =	swait.ge [sflag:s29], $0x1  }
0xba: {  	[sflag:s29] =	ssyncadd.s32 $0xFFFFFFFF  }
0xbb: {  	_ =	strace $0x90000048  }
0xbc: {  	_ =	sfence  }
0xbd: {  	s30 =	sld [smem:$0x0];
	_ =	sdelay $0x2  }
0xbe: {  	s31 =	sshll.u32 s1, $0xD;
	s1 =	sshrl.u32 s1, $0x2  }
0xbf: {  	s3 =	sand.u32 $0x4000, s31;
	s1 =	sadd.s32 s1, s30  }
0xc0: {  	s0 =	sor.u32 s3, s0;
	s1 =	sshll.u32 s1, $0x11  }
0xc1: {  	s0 =	sor.u32 s1, s0  }
0xc2: {  	s0 =	sadd.s32 $0x8F2B, s0  }
0xc3: {  	[sflag:s0] =	ssyncadd.remote.s32 $0x1  }
0xc4: {  	_ =	sfence.sel $0xFFFF  }
0xc5: {  	[dreg:$0x0] =	wrdreg $0xFFFFFFFF;
	(pc) =	sbr.abs _section_cstart, $3  }
0xc6: {  	[dreg:$0x1] =	wrdreg $0xFFFFFFFF  }
0xc7: {  	_ =	task.clear_ibuf [dreg:s10], $0x2FFFF;
	_ =	strace $0x9FFFFFFF  }
0xc8: {  	(tm) =	ssettm $0x7FFFFFFF  }
0xc9: {  	_ =	shalt  }
tec
execute0_lowered:
.L_overlay_start_1:
0x0: {  	(tag) =	ssettag $0x1  }
0x1: {  	s0 =	rddreg [dreg:$0x0]  }
0x2: {  	s2 =	rddreg [dreg:$0x1]  }
0x3: {  	s10 =	rddreg [dreg:$0x3]  }
0x4: {  	s5 =	rddreg [dreg:$0x4];
	s3 =	stileid.u32  }
0x5: {  	s6 =	srdreg.scid;
	s8 =	simm.s32 $0x0;
	s7 =	smul.u32 $0x6400, s3  }
0x6: {  	s17 =	simm.s32 $0x3280;
	s18 =	simm.s32 $0x0;
	s11 =	smul.u32 $0x3000, s3  }
0x7: {  	s6 =	sand.u32 $0x1, s6;
	[smem:$0x7FF] =	sst s8;
	s31 =	smul.u32 $0x180, s3  }
0x8: {  	s14 =	sshll.u32 s3, $0xC;
	s16 =	smul.u32 $0x18, s3;
	s9 =	ssub.s32 $0x2, s6  }
0x9: {  	s13 =	smul.u32 $0x2C400, s6;
	_ =	strace $0x80000047;
	s12 =	sshrl.u32 s9, $0x1  }
0xa: {  	v0 =	vlaneseq.u32;
	s15 =	smul.u32 $0x2C40, s6;
	s11 =	sshrl.u32 s11, $0x2;
	s9 =	ssub.s32 s9, s12  }
0xb: {  	v1 =	vmul.u32 $0x40, v0;
	s13 =	sadd.s32 s13, s10;
	s10 =	sadd.s32 s14, s5;
	s11 =	sadd.s32 s11, s5  }
0xc: {  	v2 =	vimm.s32 $0x0;
	v3 =	vor.u32 $0x2C40, v0;
	v4 =	vor.u32 $0x2C50, v0;
	s14 =	simm.s32 $0x8C00;
	s9 =	smax.u32 s9, $0x1;
	s12 =	sadd.s32 s31, s13  }
0xd: {  	v5 =	vor.u32 $0x400, v1;
	v6 =	vor.u32 $0x800, v1;
	v7 =	vor.u32 $0xC00, v1;
	s13 =	sadd.s32 s16, s15;
	s15 =	simm.s32 $0x5;
	s16 =	simm.s32 $0x1900  }
.LBB2_1:
0xe: {  	s1 =	rddreg [dreg:$0x2]  }
0xf: {  	[tilespmem:s14], [sflag:$0x5] =	stream.linear.gather [hbm4b:s1+s8], $0x1000, $0x38;
	[tilespmem:$0x1FF00] =	vst v63  }
0x10: {  	_ =	swait.ge [sflag:s15], $0x1000  }
0x11: {  	s19 =	smov.u32 s13;
	[sflag:s15] =	ssyncset.done $0x0  }
0x12: {  	s20 =	smov.u32 s12;
	s21 =	simm.s32 $0x0;
	[sflag:s15] =	ssyncadd.s32 $0xFFFFF000  }
.LBB2_2:
0x13: {  	s22 =	sadd.s32 $0x0, s3  }
0x14: {  	p0 =	sgt.u32 s22, $0x162  }
0x15: {  	s22 =	simm.s32 @!p0 $0x8C00;
	s25 =	simm.s32 @!p0 $0x5  }
0x16: {  	[spmem:s10] =	stream.linear.scatter @!p0 [tilespmem:s22], [sflag:$0x5], $0x1000, $0x38;
	[tilespmem:$0x1FF00] =	vst v63  }
0x17: {  	s23 =	simm.s32 $0x10;
	_ =	swait.ge @!p0 [sflag:s25], $0x1000  }
0x18: {  	s24 =	simm.s32 $0x20;
	s22 =	sadd.s32 $0x10000, s10;
	[sflag:s25] =	ssyncset.done @!p0 $0x0  }
.LBB2_3:
0x19: {  	s26 =	sadd.s32 s23, s3;
	s23 =	smov.u32 s24;
	s24 =	sadd.s32 $0x10, s24  }
0x1a: {  	[sflag:s25] =	ssyncadd.s32 @!p0 $0xFFFFF000;
	p1 =	sne.s32 s24, $0x170  }
.Ltmp0:
0x1b: {  	p0 =	sgt.u32 s26, $0x162;
	(pc) =	sbr.rel @p1 .LBB2_3-.Ltmp0, $4  }
0x1c: {  	s26 =	simm.s32 @!p0 $0x8C00;
	s25 =	simm.s32 @!p0 $0x5  }
0x1d: {  	[spmem:s22] =	stream.linear.scatter @!p0 [tilespmem:s26], [sflag:$0x5], $0x1000, $0x38;
	[tilespmem:$0x1FF00] =	vst v63  }
0x1e: {  	_ =	swait.ge @!p0 [sflag:s25], $0x1000  }
0x1f: {  	s22 =	sadd.s32 $0x10000, s22;
	[sflag:s25] =	ssyncset.done @!p0 $0x0  }
0x20: {  	s23 =	sadd.s32 s23, s3  }
0x21: {  	p1 =	sgt.u32 s23, $0x162  }
0x22: {  	[sflag:s25] =	ssyncadd.s32 @!p0 $0xFFFFF000;
	s23 =	simm.s32 @!p1 $0x8C00  }
0x23: {  	[spmem:s22] =	stream.linear.scatter @!p1 [tilespmem:s23], [sflag:$0x5], $0x1000, $0x38;
	[tilespmem:$0x1FF00] =	vst v63  }
0x24: {  	s30 =	sshll.u32 s21, $0x1;
	s23 =	simm.s32 @!p1 $0x5  }
.Ltmp1:
0x25: {  	s22 =	sor.u32 s6, s30;
	_ =	swait.ge @!p1 [sflag:s23], $0x1000;
	(pc) =	sbr.rel .LBB2_5-.Ltmp1, $4  }
0x26: {  	s22 =	smul.u32 $0x2C40, s22;
	[sflag:s23] =	ssyncset.done @!p1 $0x0  }
0x27: {  	[sflag:s23] =	ssyncadd.s32 @!p1 $0xFFFFF000  }
0x28: {  	s31 =	sadd.s32 $0x2C40, s22;
	[bflag:$0x0] =	sbarrier.arrive $0xFFFF  }
0x29: {  	s24 =	simm.s32 $0x0;
	v8 =	vmov s22;
	s22 =	simm.s32 $0x0;
	s23 =	smov.u32 s7;
	v9 =	vmov s31  }
.LBB2_10:
0x2a: {  	s1 =	simm.s32 @!p0 $0x3  }
0x2b: {  	_ =	swait.ge @!p0 [sflag:s1], $0x800  }
0x2c: {  	[sflag:s1] =	ssyncset.done @!p0 $0x0  }
0x2d: {  	[sflag:s1] =	ssyncadd.s32 @!p0 $0xFFFFF800  }
0x2e: {  	_ =	swait.ge @!p0 [sflag:s1], $0x800  }
0x2f: {  	[sflag:s1] =	ssyncset.done @!p0 $0x0  }
0x30: {  	[sflag:s1] =	ssyncadd.s32 @!p0 $0xFFFFF800  }
0x31: {  	_ =	swait.ge @!p0 [sflag:s1], $0x800  }
0x32: {  	p3 =	por @!p0 $0x0, $0x0;
	[sflag:s1] =	ssyncset.done @!p0 $0x0  }
0x33: {  	p2 =	por @!p2 $0x1, $0x1;
	p1 =	por !p1, p0;
	[sflag:s1] =	ssyncadd.s32 @!p0 $0xFFFFF800  }
0x34: {  	p2 =	por @!p1 p3, p3;
	p1 =	por $0x0, $0x0;
	_ =	swait.ge @!p0 [sflag:s1], $0x800  }
0x35: {  	p1 =	por @!p0 p2, p2;
	[sflag:s1] =	ssyncset.done @!p0 $0x0  }
0x36: {  	[sflag:s1] =	ssyncadd.s32 @!p0 $0xFFFFF800;
	s1 =	simm.s32 @p1 $0x4  }
0x37: {  	_ =	swait.ge @p1 [sflag:s1], $0x800  }
0x38: {  	[sflag:s1] =	ssyncset.done @p1 $0x0  }
0x39: {  	[sflag:s1] =	ssyncadd.s32 @p1 $0xFFFFF800  }
0x3a: {  	_ =	swait.ge @p1 [sflag:s1], $0x800  }
0x3b: {  	[sflag:s1] =	ssyncset.done @p1 $0x0  }
0x3c: {  	s24 =	sadd.s32 $0x1, s24;
	[sflag:s1] =	ssyncadd.s32 @p1 $0xFFFFF800  }
0x3d: {  	p0 =	sne.s32 s24, $0x4;
	_ =	swait.ge @p1 [sflag:s1], $0x800  }
.Ltmp2:
0x3e: {  	[sflag:s1] =	ssyncset.done @p1 $0x0;
	(pc) =	sbr.rel @!p0 .LBB2_11-.Ltmp2, $4  }
0x3f: {  	[sflag:s1] =	ssyncadd.s32 @p1 $0xFFFFF800  }
0x40: {  	_ =	swait.ge @p1 [sflag:s1], $0x800  }
0x41: {  	[sflag:s1] =	ssyncset.done @p1 $0x0  }
0x42: {  	s23 =	sadd.s32 $0x1900, s23;
	[sflag:s1] =	ssyncadd.s32 @p1 $0xFFFFF800  }
.LBB2_5:
0x43: {  	s25 =	smul.u32 $0x1900, s24;
	_ =	sdelay $0x1  }
0x44: {  	s25 =	sadd.s32 s7, s25  }
0x45: {  	s25 =	sshrl.u32 s25, $0x3  }
0x46: {  	s25 =	sadd.s32 s0, s25  }
0x47: {  	[tilespmem:s22], [sflag:$0x5] =	stream.linear.gather [hbm4b:s25+s22], $0x1900, $0x38;
	[tilespmem:$0x1FF00] =	vst v63  }
0x48: {  	_ =	swait.ge [sflag:s15], $0x1900  }
0x49: {  	[sflag:s15] =	ssyncset.done $0x0  }
0x4a: {  	s30 =	simm.s32 $0x0;
	[sflag:s15] =	ssyncadd.s32 $0xFFFFE700  }
0x4b: {  	v10 =	vld [tilespmem:s30+$0x0];
	_ =	sdelay $0x4  }
0x4c: {  	vm0 =	vge.s32 v10, v8;
	vm1 =	vlt.s32 v10, v9  }
0x4d: {  	vm0 =	vmand vm0, vm1  }
0x4e: {  	v11 =	vmpcnt.ones.xlane vm0  }
0x4f: {  	v12 =	vsel vm0, $0x1, v2  }
0x50: {  	(xrf0) =	vadd.scan.msk.s32 $0xffff, v12;
	(v2sf) =	vpush v11, $0x0;
	_ =	sdelay $0x2  }
0x51: {  	v11 =	vmov s22  }
0x52: {  	v11 =	vadd.s32 $0xFFFFFFFF, v11  }
0x53: {  	v11 =	vbroadcast v11, $0x0  }
0x54: {  	v12, _, _ =	vpop (xrf0)  }
0x55: {  	v11 =	vadd.s32 v12, v11;
	_ =	sdelay $0x3  }
0x56: {  	v63 =	vor.u32 s23, v0  }
0x57: {  	v10 =	vsub.s32 v10, v8;
	[tilespmem:v11+s16+$0x0] =	vst.idx.msk vm0, v63  }
0x58: {  	s31 =	simm.s32 $0x10;
	[tilespmem:v11+s17+$0x0] =	vst.idx.msk vm0, v10  }
0x59: {  	s29 =	simm.s32 $0x80;
	v10 =	vld [tilespmem:s31+$0x0]  }
0x5a: {  	s26 =	simm.s32 $0x0;
	s25 =	smov.u32 s23;
	s28 =	spop (v2sf)  }
.LBB2_6:
0x5b: {  	s26 =	sadd.s32 s26, s28  }
0x5c: {  	s25 =	sadd.s32 $0x10, s25;
	s28 =	smov.u32 s29;
	s30 =	sadd.s32 $0x40, s29  }
0x5d: {  	p0 =	sne.s32 s29, $0x63C0;
	v11 =	vmov s26  }
0x5e: {  	vm0 =	vge.s32 v10, v8;
	vm1 =	vlt.s32 v10, v9;
	v11 =	vadd.s32 $0xFFFFFFFF, v11  }
0x5f: {  	vm0 =	vmand vm0, vm1  }
0x60: {  	v12 =	vsel vm0, $0x1, v2;
	v13 =	vmpcnt.ones.xlane vm0  }
0x61: {  	(xrf0) =	vadd.scan.msk.s32 $0xffff, v12  }
0x62: {  	(v2sf) =	vpush v13, $0x0;
	_ =	sdelay $0x3  }
0x63: {  	v11 =	vbroadcast v11, $0x0  }
0x64: {  	v12, _, _ =	vpop (xrf0)  }
0x65: {  	v11 =	vadd.s32 v12, v11;
	_ =	sdelay $0x3  }
0x66: {  	v12 =	vor.u32 s25, v0  }
.Ltmp3:
0x67: {  	v10 =	vsub.s32 v10, v8;
	[tilespmem:v11+s16+$0x0] =	vst.idx.msk vm0, v12;
	(pc) =	sbr.rel @p0 .LBB2_6-.Ltmp3, $3  }
0x68: {  	s28 =	sshra.s32 s28, $0x2;
	[tilespmem:v11+s17+$0x0] =	vst.idx.msk vm0, v10  }
0x69: {  	v10 =	vld [tilespmem:s28+$0x0];
	_ =	sdelay $0x1  }
0x6a: {  	s29 =	smov.u32 s30;
	s28 =	spop (v2sf)  }
0x6b: {  	_ =	sdelay $0x1  }
0x6c: {  	vm0 =	vge.s32 v10, v8;
	vm1 =	vlt.s32 v10, v9  }
0x6d: {  	vm0 =	vmand vm0, vm1  }
0x6e: {  	v11 =	vmpcnt.ones.xlane vm0;
	_ =	sdelay $0x1  }
0x6f: {  	(v2sf) =	vpush v11, $0x0;
	_ =	sdelay $0x6  }
0x70: {  	v11 =	vsel vm0, $0x1, v2  }
0x71: {  	(xrf0) =	vadd.scan.msk.s32 $0xffff, v11;
	_ =	sdelay $0x1  }
0x72: {  	s26 =	sadd.s32 s26, s28  }
0x73: {  	v11 =	vmov s26  }
0x74: {  	v11 =	vadd.s32 $0xFFFFFFFF, v11  }
0x75: {  	v11 =	vbroadcast v11, $0x0  }
0x76: {  	v12, _, _ =	vpop (xrf0)  }
0x77: {  	v11 =	vadd.s32 v12, v11;
	s29 =	spop (v2sf)  }
0x78: {  	s26 =	sadd.s32 s26, s29  }
0x79: {  	v63 =	vadd.s32 s26, v0  }
0x7a: {  	s25 =	sadd.s32 $0x10, s25;
	s28 =	sadd.s32 $0x10, s26  }
0x7b: {  	v13 =	vor.u32 s25, v0;
	v14 =	vadd.s32 s28, v0  }
0x7c: {  	v10 =	vsub.s32 v10, v8;
	[tilespmem:v11+s16+$0x0] =	vst.idx.msk vm0, v13;
	s30 =	sadd.s32 $0x20, s26;
	s31 =	sadd.s32 $0x3F, s26  }
0x7d: {  	[tilespmem:v11+s17+$0x0] =	vst.idx.msk vm0, v10;
	s26 =	sadd.s32 $0x30, s26;
	v10 =	vadd.s32 s30, v0;
	s1 =	sand.u32 $0x3F, s31  }
0x7e: {  	s4 =	sshra.s32 s31, $0x1F;
	p0 =	slt.s32 s31, $0x1;
	p1 =	sne.s32 s1, $0x0;
	[tilespmem:v63+s17+$0x0] =	vst.idx.msk $0xffff, v3  }
0x7f: {  	v11 =	vadd.s32 s26, v0;
	s26 =	sshrl.u32 s4, $0x1A;
	p0 =	por !p0, !p1;
	[tilespmem:v63+s16+$0x0] =	vst.idx.msk $0xffff, v1  }
0x80: {  	s25 =	sadd.s32 s26, s31;
	s26 =	simm.s32 $0x1;
	p0 =	por !p0, !p0;
	[tilespmem:v14+s17+$0x0] =	vst.idx.msk $0xffff, v4  }
0x81: {  	s25 =	sshra.s32 s25, $0x6;
	s26 =	simm.s32 @!p0 $0x0;
	[tilespmem:v14+s16+$0x0] =	vst.idx.msk $0xffff, v5  }
0x82: {  	s25 =	ssub.s32 s25, s26;
	[tilespmem:v10+s17+$0x0] =	vst.idx.msk $0xffff, v3  }
0x83: {  	p0 =	slt.s32 s25, $0x1;
	[tilespmem:v10+s16+$0x0] =	vst.idx.msk $0xffff, v6  }
0x84: {  	s26 =	simm.s32 @!p0 $0x40;
	p1 =	seq.s32 @!p0 s25, $0x1;
	[tilespmem:v11+s17+$0x0] =	vst.idx.msk $0xffff, v4  }
0x85: {  	s28 =	simm.s32 @!p0 $0x1900;
	s29 =	simm.s32 @!p0 $0x4C00;
	p2 =	por p1, p0;
	[tilespmem:v11+s16+$0x0] =	vst.idx.msk $0xffff, v7  }
0x86: {  	[tilespmem:s29], [sflag:$0x1] =	stream.indirect.gather @!p0 [hbm4b:s2+s26], $0x80, s28, s26, $0xb8;
	[tilespmem:$0x1FF00] =	vst v63  }
0x87: {  	s26 =	simm.s32 @!p2 $0x40;
	s28 =	simm.s32 @!p2 $0x1940;
	s29 =	simm.s32 @!p2 $0x6C00  }
0x88: {  	[tilespmem:s29], [sflag:$0x2] =	stream.indirect.gather @!p2 [hbm4b:s2+s26], $0x80, s28, s26, $0xb8;
	[tilespmem:$0x1FF00] =	vst v63  }
0x89: {  	s29 =	sadd.s32 $0x1, s25  }
0x8a: {  	s30 =	sand.u32 $0x1, s29  }
0x8b: {  	p3 =	slt.s32 s25, $0x0;
	p4 =	seq.s32 s30, $0x1  }
0x8c: {  	s31 =	sshrl.u32 s29, $0x1F;
	p3 =	por !p3, !p4  }
0x8d: {  	s28 =	simm.s32 $0x1;
	s26 =	sadd.s32 s31, s29;
	p3 =	por !p3, !p3  }
0x8e: {  	s26 =	sshra.s32 s26, $0x1;
	s28 =	simm.s32 @!p3 $0x0  }
0x8f: {  	s26 =	ssub.s32 s26, s28  }
0x90: {  	p3 =	slt.s32 s26, $0x1  }
.Ltmp4:
0x91: {  	_ = 	snop;
	(pc) =	sbr.rel @p3 .LBB2_10-.Ltmp4, $1  }
0x92: {  	_ =	sdelay $0x3  }
0x93: {  	s28 =	simm.s32 $0x0;
	s29 =	simm.s32 $0x1;
	s30 =	simm.s32 $0x1980  }
.LBB2_9:
0x94: {  	s31 =	sadd.s32 $0xFFFFFFFF, s29  }
0x95: {  	p3 =	sge.s32 s31, s25  }
0x96: {  	v10 =	vmov @!p3 s28  }
0x97: {  	v10 =	vshrl.u32 @!p3 v10, $0x7  }
0x98: {  	v10 =	vshll.u32 @!p3 v10, $0x7  }
0x99: {  	v10 =	vbroadcast @!p3 v10, $0x0  }
0x9a: {  	v11 =	vlaneseq.u32 @!p3  }
0x9b: {  	v12 =	vor.u32 @!p3 v11, v10  }
0x9c: {  	s31 =	simm.s32 @!p3 $0x1  }
0x9d: {  	_ =	swait.ge @!p3 [sflag:s31], $0x2000  }
0x9e: {  	[sflag:s31] =	ssyncset.done @!p3 $0x0  }
0x9f: {  	[sflag:s31] =	ssyncadd.s32 @!p3 $0xFFFFE000;
	s31 =	simm.s32 @!p3 $0x3280  }
0xa0: {  	v12 =	vld.idx.msk @!p3 [tilespmem:v12+s31+$0x0], $0xffff;
	_ =	sdelay $0x2  }
0xa1: {  	v13 =	vor.u32 @!p3 $0x10, v11  }
0xa2: {  	v13 =	vor.u32 @!p3 v13, v10;
	_ =	sdelay $0x2  }
0xa3: {  	vm0 =	vmmov @!p3 $0xffff;
	s1 =	simm.s32 @!p3 $0x4C00  }
0xa4: {  	[spmem:s5] =	stream.indirect_vreg.scatter.add.f32 @!p3 [tilespmem:s1], [sflag:$0x3], $0x80, v12, vm0, $0xb8;
	[tilespmem:$0x1FF00] =	vst v63  }
0xa5: {  	v12 =	vld.idx.msk @!p3 [tilespmem:v13+s31+$0x0], $0xffff;
	_ =	sdelay $0x2  }
0xa6: {  	v13 =	vor.u32 @!p3 $0x20, v11  }
0xa7: {  	v13 =	vor.u32 @!p3 v13, v10;
	_ =	sdelay $0x2  }
0xa8: {  	s1 =	simm.s32 @!p3 $0x5400  }
0xa9: {  	[spmem:s5] =	stream.indirect_vreg.scatter.add.f32 @!p3 [tilespmem:s1], [sflag:$0x3], $0x80, v12, vm0, $0xb8;
	[tilespmem:$0x1FF00] =	vst v63  }
0xaa: {  	v12 =	vld.idx.msk @!p3 [tilespmem:v13+s31+$0x0], $0xffff;
	_ =	sdelay $0x2  }
0xab: {  	v11 =	vor.u32 @!p3 $0x30, v11  }
0xac: {  	v10 =	vor.u32 @!p3 v11, v10;
	_ =	sdelay $0x2  }
0xad: {  	s1 =	simm.s32 @!p3 $0x5C00  }
0xae: {  	[spmem:s5] =	stream.indirect_vreg.scatter.add.f32 @!p3 [tilespmem:s1], [sflag:$0x3], $0x80, v12, vm0, $0xb8;
	[tilespmem:$0x1FF00] =	vst v63  }
0xaf: {  	v10 =	vld.idx.msk @!p3 [tilespmem:v10+s31+$0x0], $0xffff  }
0xb0: {  	p4 =	sge.s32 s29, s25  }
0xb1: {  	s1 =	sadd.s32 @!p4 $0x40, s28  }
0xb2: {  	v11 =	vmov @!p4 s1  }
0xb3: {  	v11 =	vshrl.u32 @!p4 v11, $0x7  }
0xb4: {  	v11 =	vshll.u32 @!p4 v11, $0x7  }
0xb5: {  	v12 =	vlaneseq.u32 @!p4;
	v11 =	vbroadcast @!p4 v11, $0x0  }
0xb6: {  	s1 =	simm.s32 @!p3 $0x6400;
	v13 =	vor.u32 @!p4 $0x40, v12  }
0xb7: {  	[spmem:s5] =	stream.indirect_vreg.scatter.add.f32 @!p3 [tilespmem:s1], [sflag:$0x3], $0x80, v10, vm0, $0xb8;
	v10 =	vor.u32 @!p4 v13, v11;
	[tilespmem:$0x1FF00] =	vst v63  }
0xb8: {  	s1 =	simm.s32 @!p4 $0x2  }
0xb9: {  	_ =	swait.ge @!p4 [sflag:s1], $0x2000  }
0xba: {  	[sflag:s1] =	ssyncset.done @!p4 $0x0  }
0xbb: {  	[sflag:s1] =	ssyncadd.s32 @!p4 $0xFFFFE000;
	s1 =	simm.s32 @!p4 $0x3280  }
0xbc: {  	v10 =	vld.idx.msk @!p4 [tilespmem:v10+s1+$0x0], $0xffff;
	_ =	sdelay $0x2  }
0xbd: {  	v13 =	vor.u32 @!p4 $0x50, v12  }
0xbe: {  	v13 =	vor.u32 @!p4 v13, v11;
	_ =	sdelay $0x2  }
0xbf: {  	s31 =	simm.s32 @!p4 $0x6C00;
	vm0 =	vmmov @!p4 $0xffff  }
0xc0: {  	[spmem:s5] =	stream.indirect_vreg.scatter.add.f32 @!p4 [tilespmem:s31], [sflag:$0x4], $0x80, v10, vm0, $0xb8;
	[tilespmem:$0x1FF00] =	vst v63  }
0xc1: {  	v10 =	vld.idx.msk @!p4 [tilespmem:v13+s1+$0x0], $0xffff;
	_ =	sdelay $0x2  }
0xc2: {  	v13 =	vor.u32 @!p4 $0x60, v12  }
0xc3: {  	v13 =	vor.u32 @!p4 v13, v11;
	_ =	sdelay $0x2  }
0xc4: {  	s31 =	simm.s32 @!p4 $0x7400  }
0xc5: {  	[spmem:s5] =	stream.indirect_vreg.scatter.add.f32 @!p4 [tilespmem:s31], [sflag:$0x4], $0x80, v10, vm0, $0xb8;
	[tilespmem:$0x1FF00] =	vst v63  }
0xc6: {  	v10 =	vld.idx.msk @!p4 [tilespmem:v13+s1+$0x0], $0xffff;
	_ =	sdelay $0x2  }
0xc7: {  	v12 =	vor.u32 @!p4 $0x70, v12  }
0xc8: {  	v11 =	vor.u32 @!p4 v12, v11;
	_ =	sdelay $0x2  }
0xc9: {  	s31 =	simm.s32 @!p4 $0x7C00  }
0xca: {  	[spmem:s5] =	stream.indirect_vreg.scatter.add.f32 @!p4 [tilespmem:s31], [sflag:$0x4], $0x80, v10, vm0, $0xb8;
	[tilespmem:$0x1FF00] =	vst v63  }
0xcb: {  	v10 =	vld.idx.msk @!p4 [tilespmem:v11+s1+$0x0], $0xffff;
	_ =	sdelay $0x5  }
0xcc: {  	s31 =	sadd.s32 $0x1, s29  }
0xcd: {  	s1 =	simm.s32 @!p4 $0x8400;
	p3 =	sge.s32 s31, s25  }
0xce: {  	[spmem:s5] =	stream.indirect_vreg.scatter.add.f32 @!p4 [tilespmem:s1], [sflag:$0x4], $0x80, v10, vm0, $0xb8;
	[tilespmem:$0x1FF00] =	vst v63  }
0xcf: {  	s1 =	simm.s32 @!p3 $0x3  }
0xd0: {  	_ =	swait.ge @!p3 [sflag:s1], $0x800  }
0xd1: {  	[sflag:s1] =	ssyncset.done @!p3 $0x0  }
0xd2: {  	[sflag:s1] =	ssyncadd.s32 @!p3 $0xFFFFF800  }
0xd3: {  	_ =	swait.ge @!p3 [sflag:s1], $0x800  }
0xd4: {  	[sflag:s1] =	ssyncset.done @!p3 $0x0  }
0xd5: {  	[sflag:s1] =	ssyncadd.s32 @!p3 $0xFFFFF800  }
0xd6: {  	_ =	swait.ge @!p3 [sflag:s1], $0x800  }
0xd7: {  	[sflag:s1] =	ssyncset.done @!p3 $0x0  }
0xd8: {  	[sflag:s1] =	ssyncadd.s32 @!p3 $0xFFFFF800  }
0xd9: {  	_ =	swait.ge @!p3 [sflag:s1], $0x800  }
0xda: {  	s29 =	sadd.s32 $0x2, s29;
	[sflag:s1] =	ssyncset.done @!p3 $0x0  }
0xdb: {  	s31 =	simm.s32 @!p3 $0x4C00;
	[sflag:s1] =	ssyncadd.s32 @!p3 $0xFFFFF800;
	s1 =	simm.s32 @!p3 $0x40  }
0xdc: {  	[tilespmem:s31], [sflag:$0x1] =	stream.indirect.gather @!p3 [hbm4b:s2+s1], $0x80, s30, s1, $0xb8;
	[tilespmem:$0x1FF00] =	vst v63  }
0xdd: {  	p3 =	sge.s32 s29, s25  }
0xde: {  	s1 =	simm.s32 @!p3 $0x4  }
0xdf: {  	_ =	swait.ge @!p3 [sflag:s1], $0x800  }
0xe0: {  	[sflag:s1] =	ssyncset.done @!p3 $0x0  }
0xe1: {  	[sflag:s1] =	ssyncadd.s32 @!p3 $0xFFFFF800  }
0xe2: {  	_ =	swait.ge @!p3 [sflag:s1], $0x800  }
0xe3: {  	[sflag:s1] =	ssyncset.done @!p3 $0x0  }
0xe4: {  	[sflag:s1] =	ssyncadd.s32 @!p3 $0xFFFFF800  }
0xe5: {  	_ =	swait.ge @!p3 [sflag:s1], $0x800  }
0xe6: {  	[sflag:s1] =	ssyncset.done @!p3 $0x0  }
0xe7: {  	[sflag:s1] =	ssyncadd.s32 @!p3 $0xFFFFF800  }
0xe8: {  	_ =	swait.ge @!p3 [sflag:s1], $0x800  }
0xe9: {  	s26 =	sadd.s32 $0xFFFFFFFF, s26;
	s31 =	simm.s32 @!p3 $0x40;
	[sflag:s1] =	ssyncset.done @!p3 $0x0  }
0xea: {  	s4 =	simm.s32 @!p3 $0x6C00;
	[sflag:s1] =	ssyncadd.s32 @!p3 $0xFFFFF800;
	s1 =	sadd.s32 @!p3 $0x40, s30  }
0xeb: {  	[tilespmem:s4], [sflag:$0x2] =	stream.indirect.gather @!p3 [hbm4b:s2+s31], $0x80, s1, s31, $0xb8;
	[tilespmem:$0x1FF00] =	vst v63  }
0xec: {  	p3 =	sne.s32 s26, $0x0  }
.Ltmp5:
0xed: {  	_ = 	snop;
	(pc) =	sbr.rel @p3 .LBB2_9-.Ltmp5, $2  }
0xee: {  	_ =	sdelay $0x2  }
0xef: {  	s28 =	sadd.s32 $0x80, s28;
	s30 =	sadd.s32 $0x80, s30  }
.Ltmp6:
0xf0: {  	_ = 	snop;
	(pc) =	sbr.rel .LBB2_10-.Ltmp6, $1  }
0xf1: {  	_ =	sdelay $0x3  }
.LBB2_11:
0xf2: {  	s1 =	sadd.s32 $0x0, s3  }
0xf3: {  	p0 =	sgt.u32 s1, $0x1D7  }
0xf4: {  	p1 =	sgt.u32 @!p0 s19, $0x1869F  }
0xf5: {  	[bflag:$0x0] =	sbarrier.arrive $0xFFFF;
	p0 =	por p1, p0  }
0xf6: {  	s23 =	simm.s32 $0x20;
	s22 =	sadd.s32 $0x1800, s20;
	s1 =	sshll.u32 @!p0 s3, $0x6  }
0xf7: {  	s4 =	sshrl.u32 @!p0 s11, $0x3;
	s26 =	simm.s32 @!p0 $0x5;
	s1 =	sor.u32 @!p0 $0x1C05, s1  }
0xf8: {  	[hbm:s20], [sflag:s1] =	dma.local @!p0 [spmem:s4], $0x180  }
0xf9: {  	s31 =	sadd.s32 $0x10, s3;
	s24 =	sadd.s32 $0xC000, s11;
	_ =	swait.ge @!p0 [sflag:s26], $0x180  }
0xfa: {  	s25 =	sadd.s32 $0x180, s19;
	p2 =	sgt.u32 s31, $0x1D7;
	[sflag:s26] =	ssyncset.done @!p0 $0x0  }
.LBB2_12:
0xfb: {  	p3 =	sgt.u32 @!p2 s25, $0x1869F;
	[sflag:s26] =	ssyncadd.s32 @!p0 $0xFFFFFE80  }
0xfc: {  	s1 =	smov.u32 s23;
	s23 =	sadd.s32 $0x10, s23;
	s4 =	smov.u32 s22  }
0xfd: {  	p1 =	sne.s32 s23, $0x1E0;
	p0 =	por p3, p2  }
.Ltmp7:
0xfe: {  	s26 =	sshll.u32 @!p0 s3, $0x6;
	s28 =	sshrl.u32 @!p0 s24, $0x3;
	(pc) =	sbr.rel @p1 .LBB2_12-.Ltmp7, $4  }
0xff: {  	s22 =	sadd.s32 $0x1800, s22;
	s29 =	sor.u32 @!p0 $0x1C05, s26;
	s26 =	simm.s32 @!p0 $0x5  }
0x100: {  	[hbm:s4], [sflag:s29] =	dma.local @!p0 [spmem:s28], $0x180  }
0x101: {  	s1 =	sadd.s32 s1, s3;
	s24 =	sadd.s32 $0xC000, s24;
	_ =	swait.ge @!p0 [sflag:s26], $0x180  }
0x102: {  	s25 =	sadd.s32 $0x180, s25;
	p2 =	sgt.u32 s1, $0x1D7;
	[sflag:s26] =	ssyncset.done @!p0 $0x0  }
0x103: {  	p1 =	sgt.u32 @!p2 s25, $0x1869F  }
0x104: {  	s21 =	sadd.s32 $0x1, s21;
	p1 =	por p1, p2  }
0x105: {  	[sflag:s26] =	ssyncadd.s32 @!p0 $0xFFFFFE80;
	p0 =	sne.s32 s21, $0x5;
	s1 =	sshll.u32 @!p1 s3, $0x6  }
0x106: {  	s4 =	sshrl.u32 @!p1 s24, $0x3;
	s23 =	simm.s32 @!p1 $0x5;
	s1 =	sor.u32 @!p1 $0x1C05, s1  }
0x107: {  	[hbm:s22], [sflag:s1] =	dma.local @!p1 [spmem:s4], $0x180  }
.Ltmp8:
0x108: {  	_ =	swait.ge @!p1 [sflag:s23], $0x180;
	(pc) =	sbr.rel @p0 .LBB2_2-.Ltmp8, $4  }
0x109: {  	[sflag:s23] =	ssyncset.done @!p1 $0x0  }
0x10a: {  	[sflag:s23] =	ssyncadd.s32 @!p1 $0xFFFFFE80  }
0x10b: {  	[bflag:$0x0] =	sbarrier.arrive $0xFFFF  }
0x10c: {  	s20 =	sadd.s32 $0x58800, s20;
	s19 =	sadd.s32 $0x5880, s19  }
0x10d: {  	s18 =	sadd.s32 $0x1, s18  }
0x10e: {  	p0 =	sne.s32 s18, s9  }
.Ltmp9:
0x10f: {  	_ = 	snop;
	(pc) =	sbr.rel @p0 .LBB2_1-.Ltmp9, $1  }
0x110: {  	_ =	sdelay $0x3  }
0x111: {  	_ =	sfence.sel $0x180000  }
0x112: {  	[bflag:$0x0] =	sbarrier.arrive $0xFFFF  }
0x113: {  	_ =	strace $0x90000047  }
0x114: {  	[bflag:$0x2] =	sbarrier.arrive $0xFFFF  }
0x115: {  	p0 =	sne.s32 s3, $0x0;
	s0 =	rddreg [dreg:$0x5]  }
0x116: {  	s0 =	sadd.s32 @!p0 $0x100000, s0  }
0x117: {  	[sflag:s0] =	ssyncadd.tile.s32 @!p0 $0x1;
	_ =	shalt  }
.Lfunc_end2:
_tile_overlayer_lowered:
.L_overlay_start_2:
0x118: {  	(tag) =	ssettag $0x2  }
0x119: {  	s0 =	rddreg [dreg:$0x0];
	s2 =	stileid.u32  }
0x11a: {  	s1 =	rddreg [dreg:$0x1];
	p0 =	sne.s32 s2, $0x0  }
0x11b: {  	s3 =	rddreg [dreg:$0x2];
	[bflag:$0x3] =	sbarrier.arrive $0xFFFF;
	s2 =	simm.s32 @!p0 $0x1C05  }
0x11c: {  	[timem:s3], [sflag:s2] =	dma.local @!p0 [hbm:s0], s1  }
0x11d: {  	s0 =	simm.s32 @!p0 $0x5  }
0x11e: {  	_ =	swait.ge @!p0 [sflag:s0], s1  }
0x11f: {  	s1 =	ssub.s32 @!p0 $0x0, s1;
	[sflag:s0] =	ssyncset.done @!p0 $0x0  }
0x120: {  	[sflag:s0] =	ssyncadd.s32 @!p0 s1  }
0x121: {  	[bflag:$0x3] =	sbarrier.arrive $0xFFFF  }
0x122: {  	_ =	shalt  }

</sc_bundles>
